<compile_context>
chip_gen: v7x
topology: tpu7x:2x2x1
jax: 0.10.2.dev20260603
libtpu: 0.0.44.dev20260713+nightly
codegen_flags: <defaults>
</compile_context>

<pallas_src>
import functools

import jax
import jax.numpy as jnp
from jax import lax
from jax.experimental import pallas as pl
from jax.experimental.pallas import tpu as pltpu
from jax.experimental.pallas import tpu_sc as plsc

M = 100000
D = 128
B = 16384
PARA = 0.5

NC, NS = 2, 16
NW = NC * NS
BPW = B // NW


@functools.cache
def _sc_kernels():
    mesh = plsc.VectorSubcoreMesh(
        core_axis_name="c", subcore_axis_name="s", num_cores=NC, num_subcores=NS
    )

    @functools.partial(
        pl.kernel,
        mesh=mesh,
        out_type=jax.ShapeDtypeStruct((B, D), jnp.float32),
        scratch_types=[
            [pltpu.VMEM((BPW // 4,), jnp.int32) for _ in range(4)],
            [pltpu.VMEM((BPW // 4, D), jnp.float32) for _ in range(4)],
            pltpu.VMEM((BPW,), jnp.int32),
            pltpu.VMEM((BPW,), jnp.int32),
            [pltpu.SemaphoreType.DMA for _ in range(4)],
            pltpu.SemaphoreType.DMA,
            pltpu.SemaphoreType.DMA,
        ],
    )
    def sc_gather(mem_hbm, idx_hbm, ts_hbm, lu_ref, out_hbm,
                  idx4, rows4, idx_v, ts_v, sem4, sem_t, sem_w):
        wid = lax.axis_index("s") * NC + lax.axis_index("c")
        base = wid * BPW
        Q = BPW // 4
        for j in range(4):
            pltpu.sync_copy(idx_hbm.at[pl.ds(base + j * Q, Q)], idx4[j])
        gathers = [
            pltpu.async_copy(mem_hbm.at[idx4[j]], rows4[j], sem4[j])
            for j in range(4)
        ]
        pltpu.sync_copy(idx_hbm.at[pl.ds(base, BPW)], idx_v)
        pltpu.sync_copy(ts_hbm.at[pl.ds(base, BPW)], ts_v)
        cp_ts = pltpu.async_copy(ts_v, lu_ref.at[idx_v], sem_t)
        writes = []
        for j in range(4):
            gathers[j].wait()
            writes.append(
                pltpu.async_copy(rows4[j], out_hbm.at[pl.ds(base + j * Q, Q)], sem_w)
            )
        cp_ts.wait()
        for w in writes:
            w.wait()

    @functools.partial(
        pl.kernel,
        mesh=mesh,
        out_type=(),
        scratch_types=[
            pltpu.VMEM((BPW,), jnp.int32),
            pltpu.VMEM((BPW, D), jnp.float32),
            pltpu.SemaphoreType.DMA,
        ],
    )
    def sc_scatter(upd_hbm, idx_hbm, mem_ref, idx_v, rows_v, sem):
        wid = lax.axis_index("s") * NC + lax.axis_index("c")
        base = wid * BPW
        pltpu.sync_copy(idx_hbm.at[pl.ds(base, BPW)], idx_v)
        pltpu.sync_copy(upd_hbm.at[pl.ds(base, BPW)], rows_v)
        pltpu.async_copy(rows_v, mem_ref.at[idx_v], sem).wait()

    return sc_gather, sc_scatter


_CR = 5000


def _tc_copy_body(src_ref, dst_ref):
    dst_ref[...] = src_ref[...]


def _tc_copy(memory):
    return pl.pallas_call(
        _tc_copy_body,
        grid=(M // _CR,),
        in_specs=[pl.BlockSpec((_CR, D), lambda i: (i, 0))],
        out_specs=pl.BlockSpec((_CR, D), lambda i: (i, 0)),
        out_shape=jax.ShapeDtypeStruct((M, D), jnp.float32),
    )(memory)


_BM = 2048


def _tc_body(mem_ref, msg_ref, w1m_ref, w1c_ref, w2_ref, out_ref):
    msg = msg_ref[...]
    mem = mem_ref[...]
    z = jnp.dot(msg, w1m_ref[...], preferred_element_type=jnp.float32)
    z = z + jnp.dot(mem, w1c_ref[...], preferred_element_type=jnp.float32)
    w = jnp.maximum(jnp.tanh(z), 0.0) * PARA
    u = jnp.tanh(jnp.dot(msg, w2_ref[...], preferred_element_type=jnp.float32))
    out_ref[...] = mem * (1.0 - w) + w * u


def _tc_update(mem_b, msgs, w1m, w1c, w2):
    return pl.pallas_call(
        _tc_body,
        grid=(B // _BM,),
        in_specs=[
            pl.BlockSpec((_BM, D), lambda i: (i, 0)),
            pl.BlockSpec((_BM, D), lambda i: (i, 0)),
            pl.BlockSpec((D, D), lambda i: (0, 0)),
            pl.BlockSpec((D, D), lambda i: (0, 0)),
            pl.BlockSpec((D, D), lambda i: (0, 0)),
        ],
        out_specs=pl.BlockSpec((_BM, D), lambda i: (i, 0)),
        out_shape=jax.ShapeDtypeStruct((B, D), jnp.float32),
    )(mem_b, msgs, w1m, w1c, w2)


def kernel(memory, unique_messages, W_lins, W_lin2, unique_node_ids, timestamps, last_update):
    sc_gather, sc_scatter = _sc_kernels()
    w1m = W_lins[:, :D].T
    w1c = W_lins[:, D:].T
    w2 = W_lin2.T

    lu_ref = jax.new_ref(last_update)
    mem_b = sc_gather(memory, unique_node_ids, timestamps, lu_ref)
    table = _tc_copy(memory)
    updated = _tc_update(mem_b, unique_messages, w1m, w1c, w2)

    tbl_ref = jax.new_ref(table)
    sc_scatter(updated, unique_node_ids, tbl_ref)
    return tbl_ref[...], lu_ref[...]

# --- scband reference (transcript-rebuilt; emitter-appended) ---
"""Pipeline reference for scband-sequence-memory-updater-44899588112473 (READ-ONLY COPY).

The authoritative reference and input builder live on the scoring server;
editing this copy changes nothing except your own understanding.
"""

import jax, jax.numpy as jnp
import numpy as np

M = 100000      # number of memory slots (nodes)
D_MEM = 128     # memory_dimension
D_MSG = 128     # message_dimension
B = 16384       # number of unique nodes updated this batch
PARA = 0.5      # gating scale used in update_memory_member


def setup_inputs(seed: int = 0) -> dict:
    key = jax.random.key(seed)
    k1, k2, k3, k4, k5, k6 = jax.random.split(key, 6)
    memory = jax.random.normal(k1, (M, D_MEM), dtype=jnp.float32)
    # unique ids: use a permutation so scatter-set targets are distinct (matches 'unique_node_ids' semantics)
    unique_node_ids = jax.random.permutation(k2, M)[:B].astype(jnp.int32)
    unique_messages = jax.random.normal(k3, (B, D_MSG), dtype=jnp.float32)
    timestamps = jax.random.randint(k4, (B,), 0, 100000, dtype=jnp.int32)
    # nn.Linear weights are [out, in]; original init is zeros -> use small random for a nontrivial reference
    W_lins = jax.random.normal(k5, (D_MEM, D_MSG + D_MEM), dtype=jnp.float32) * 0.02
    W_lin2 = jax.random.normal(k6, (D_MEM, D_MSG), dtype=jnp.float32) * 0.02
    last_update = jnp.zeros((M,), dtype=jnp.int32)
    return {
        "memory": memory,
        "unique_messages": unique_messages,
        "W_lins": W_lins,
        "W_lin2": W_lin2,
        "unique_node_ids": unique_node_ids,
        "timestamps": timestamps,
        "last_update": last_update,
    }


def reference(memory, unique_messages, W_lins, W_lin2, unique_node_ids, timestamps, last_update):
    # SequenceMemoryUpdater.update_memory_member, functional form
    # memory = self.memory.get_memory(unique_node_ids)  -> gather
    mem_b = jnp.take(memory, unique_node_ids, axis=0)
    # self.memory.last_update[unique_node_ids] = timestamps  -> scatter overwrite
    new_last_update = last_update.at[unique_node_ids].set(timestamps)
    # weight = tanh(self.lins(cat(messages, memory))); weight = relu(weight) * para
    cat = jnp.concatenate([unique_messages, mem_b], axis=1)
    weight = jnp.tanh(cat @ W_lins.T)
    weight = jax.nn.relu(weight) * PARA
    # updated = memory * (1 - weight) + weight * tanh(self.linear2(messages))
    updated = mem_b * (1.0 - weight) + weight * jnp.tanh(unique_messages @ W_lin2.T)
    # self.memory.set_memory(unique_node_ids, updated_memory)  -> scatter overwrite
    new_memory = memory.at[unique_node_ids].set(updated)
    return (new_memory, new_last_update)

if __name__ == "__main__":
    import jax
    _d = setup_inputs()
    print(jax.jit(kernel)(*tuple(_d.values())))

</pallas_src>

<mosaic_0001>
#map = affine_map<(d0, d1) -> (0, 0)>
#map1 = affine_map<(d0, d1) -> (0)>
module attributes {stable_mosaic.version = 14 : i64} {
  func.func @new_body(%arg0: i32, %arg1: i32, %arg2: memref<16384x128xf32, #tpu.memory_space<hbm>>, %arg3: memref<16384xi32, #tpu.memory_space<hbm>>, %arg4: memref<100000x128xf32, #tpu.memory_space<hbm>>, %arg5: memref<100000x128xf32, #tpu.memory_space<hbm>>, %arg6: memref<512xi32, #tpu.memory_space<vmem>>, %arg7: memref<512x128xf32, #tpu.memory_space<vmem>>, %arg8: memref<!tpu.dma_semaphore, #tpu.memory_space<semaphore_mem>>) attributes {dimension_semantics = [#tpu.dimension_semantics<core_parallel>, #tpu.dimension_semantics<subcore_parallel>], iteration_bounds = array<i64: 2, 16>, scalar_prefetch = 0 : i64, scratch_operands = 3 : i64, tpu.core_type = #tpu.core_type<sc_vector_subcore>, window_params = [{transform_indices = #map}, {transform_indices = #map1}, {transform_indices = #map}, {transform_indices = #map}]} {
    %mul3A = arith.constant 2 : i32
    %mul3A_0 = arith.muli %arg1, %mul3A : i32
    %add3A = arith.addi %mul3A_0, %arg0 : i32
    %mul3A_1 = arith.constant 512 : i32
    %mul3A_2 = arith.muli %add3A, %mul3A_1 : i32
    "tpu.region"() ({
      %run_scoped3A = tpu.sem_alloc : memref<!tpu.dma_semaphore, #tpu.memory_space<semaphore_mem>>
      %dma_start3A_7 = tpu.memref_slice %arg3[%mul3A_2] : memref<16384xi32, #tpu.memory_space<hbm>> -> memref<512xi32, #tpu.memory_space<hbm>>
      %dma_start3A_8 = tpu.memref_slice %arg3[%mul3A_2] : memref<16384xi32, #tpu.memory_space<hbm>> -> memref<512xi32, #tpu.memory_space<hbm>>
      tpu.enqueue_dma source(%dma_start3A_8 : memref<512xi32, #tpu.memory_space<hbm>>) target(%arg6 : memref<512xi32, #tpu.memory_space<vmem>>) target_semaphore(%run_scoped3A : memref<!tpu.dma_semaphore, #tpu.memory_space<semaphore_mem>>)
      %dma_wait3A_9 = tpu.memref_slice %arg3[%mul3A_2] : memref<16384xi32, #tpu.memory_space<hbm>> -> memref<512xi32, #tpu.memory_space<hbm>>
      %dma_wait3A_10 = tpu.memref_slice %arg3[%mul3A_2] : memref<16384xi32, #tpu.memory_space<hbm>> -> memref<512xi32, #tpu.memory_space<hbm>>
      tpu.wait_dma2 semaphore(%run_scoped3A : memref<!tpu.dma_semaphore, #tpu.memory_space<semaphore_mem>>) src(%dma_wait3A_10 : memref<512xi32, #tpu.memory_space<hbm>>) dst(%arg6 : memref<512xi32, #tpu.memory_space<vmem>>)
      tpu.yield
    }) : () -> ()
    "tpu.region"() ({
      %run_scoped3A = tpu.sem_alloc : memref<!tpu.dma_semaphore, #tpu.memory_space<semaphore_mem>>
      %dma_start3A_7 = arith.constant 0 : i32
      %dma_start3A_8 = tpu.memref_slice %arg2[%mul3A_2, %dma_start3A_7] : memref<16384x128xf32, #tpu.memory_space<hbm>> -> memref<512x128xf32, #tpu.memory_space<hbm>>
      %dma_start3A_9 = arith.constant 0 : i32
      %dma_start3A_10 = tpu.memref_slice %arg2[%mul3A_2, %dma_start3A_9] : memref<16384x128xf32, #tpu.memory_space<hbm>> -> memref<512x128xf32, #tpu.memory_space<hbm>>
      tpu.enqueue_dma source(%dma_start3A_10 : memref<512x128xf32, #tpu.memory_space<hbm>>) target(%arg7 : memref<512x128xf32, #tpu.memory_space<vmem>>) target_semaphore(%run_scoped3A : memref<!tpu.dma_semaphore, #tpu.memory_space<semaphore_mem>>)
      %dma_wait3A_11 = arith.constant 0 : i32
      %dma_wait3A_12 = tpu.memref_slice %arg2[%mul3A_2, %dma_wait3A_11] : memref<16384x128xf32, #tpu.memory_space<hbm>> -> memref<512x128xf32, #tpu.memory_space<hbm>>
      %dma_wait3A_13 = arith.constant 0 : i32
      %dma_wait3A_14 = tpu.memref_slice %arg2[%mul3A_2, %dma_wait3A_13] : memref<16384x128xf32, #tpu.memory_space<hbm>> -> memref<512x128xf32, #tpu.memory_space<hbm>>
      tpu.wait_dma2 semaphore(%run_scoped3A : memref<!tpu.dma_semaphore, #tpu.memory_space<semaphore_mem>>) src(%dma_wait3A_14 : memref<512x128xf32, #tpu.memory_space<hbm>>) dst(%arg7 : memref<512x128xf32, #tpu.memory_space<vmem>>)
      tpu.yield
    }) : () -> ()
    %dma_start3A = arith.constant 0 : i32
    %dma_start3A_3 = arith.constant 0 : i32
    %dma_start3A_4 = tpu.memref_slice %arg4[%dma_start3A, %dma_start3A_3] : memref<100000x128xf32, #tpu.memory_space<hbm>> -> memref<100000x128xf32, #tpu.memory_space<hbm>>
    tpu.enqueue_indirect_dma source(%arg7 : memref<512x128xf32, #tpu.memory_space<vmem>>) target(%dma_start3A_4 : memref<100000x128xf32, #tpu.memory_space<hbm>>) offsets(%arg6 : memref<512xi32, #tpu.memory_space<vmem>>) semaphore(%arg8 : memref<!tpu.dma_semaphore, #tpu.memory_space<semaphore_mem>>)
    %dma_wait3A = arith.constant 0 : i32
    %dma_wait3A_5 = arith.constant 0 : i32
    %dma_wait3A_6 = tpu.memref_slice %arg4[%dma_wait3A, %dma_wait3A_5] : memref<100000x128xf32, #tpu.memory_space<hbm>> -> memref<100000x128xf32, #tpu.memory_space<hbm>>
    tpu.wait_indirect_dma semaphore(%arg8 : memref<!tpu.dma_semaphore, #tpu.memory_space<semaphore_mem>>) src(%arg7 : memref<512x128xf32, #tpu.memory_space<vmem>>) dst(%dma_wait3A_6 : memref<100000x128xf32, #tpu.memory_space<hbm>>)
    return
  }
}

#map = affine_map<(d0, d1) -> (0, 0)>
#map1 = affine_map<(d0, d1) -> (0)>
module attributes {stable_mosaic.version = 14 : i64} {
  func.func @new_body(%arg0: i32, %arg1: i32, %arg2: memref<100000x128xf32, #tpu.memory_space<hbm>>, %arg3: memref<16384xi32, #tpu.memory_space<hbm>>, %arg4: memref<16384xi32, #tpu.memory_space<hbm>>, %arg5: memref<100000xi32, #tpu.memory_space<hbm>>, %arg6: memref<16384x128xf32, #tpu.memory_space<hbm>>, %arg7: memref<100000xi32, #tpu.memory_space<hbm>>, %arg8: memref<128xi32, #tpu.memory_space<vmem>>, %arg9: memref<128xi32, #tpu.memory_space<vmem>>, %arg10: memref<128xi32, #tpu.memory_space<vmem>>, %arg11: memref<128xi32, #tpu.memory_space<vmem>>, %arg12: memref<128x128xf32, #tpu.memory_space<vmem>>, %arg13: memref<128x128xf32, #tpu.memory_space<vmem>>, %arg14: memref<128x128xf32, #tpu.memory_space<vmem>>, %arg15: memref<128x128xf32, #tpu.memory_space<vmem>>, %arg16: memref<512xi32, #tpu.memory_space<vmem>>, %arg17: memref<512xi32, #tpu.memory_space<vmem>>, %arg18: memref<!tpu.dma_semaphore, #tpu.memory_space<semaphore_mem>>, %arg19: memref<!tpu.dma_semaphore, #tpu.memory_space<semaphore_mem>>, %arg20: memref<!tpu.dma_semaphore, #tpu.memory_space<semaphore_mem>>, %arg21: memref<!tpu.dma_semaphore, #tpu.memory_space<semaphore_mem>>, %arg22: memref<!tpu.dma_semaphore, #tpu.memory_space<semaphore_mem>>, %arg23: memref<!tpu.dma_semaphore, #tpu.memory_space<semaphore_mem>>) attributes {dimension_semantics = [#tpu.dimension_semantics<core_parallel>, #tpu.dimension_semantics<subcore_parallel>], iteration_bounds = array<i64: 2, 16>, scalar_prefetch = 0 : i64, scratch_operands = 16 : i64, tpu.core_type = #tpu.core_type<sc_vector_subcore>, window_params = [{transform_indices = #map}, {transform_indices = #map1}, {transform_indices = #map1}, {transform_indices = #map1}, {transform_indices = #map}, {transform_indices = #map1}]} {
    %mul3A = arith.constant 2 : i32
    %mul3A_0 = arith.muli %arg1, %mul3A : i32
    %add3A = arith.addi %mul3A_0, %arg0 : i32
    %mul3A_1 = arith.constant 512 : i32
    %mul3A_2 = arith.muli %add3A, %mul3A_1 : i32
    %add3A_3 = arith.constant 0 : i32
    %add3A_4 = arith.addi %mul3A_2, %add3A_3 : i32
    "tpu.region"() ({
      %run_scoped3A = tpu.sem_alloc : memref<!tpu.dma_semaphore, #tpu.memory_space<semaphore_mem>>
      %dma_start3A_77 = tpu.memref_slice %arg3[%add3A_4] : memref<16384xi32, #tpu.memory_space<hbm>> -> memref<128xi32, #tpu.memory_space<hbm>>
      %dma_start3A_78 = tpu.memref_slice %arg3[%add3A_4] : memref<16384xi32, #tpu.memory_space<hbm>> -> memref<128xi32, #tpu.memory_space<hbm>>
      tpu.enqueue_dma source(%dma_start3A_78 : memref<128xi32, #tpu.memory_space<hbm>>) target(%arg8 : memref<128xi32, #tpu.memory_space<vmem>>) target_semaphore(%run_scoped3A : memref<!tpu.dma_semaphore, #tpu.memory_space<semaphore_mem>>)
      %dma_wait3A_79 = tpu.memref_slice %arg3[%add3A_4] : memref<16384xi32, #tpu.memory_space<hbm>> -> memref<128xi32, #tpu.memory_space<hbm>>
      %dma_wait3A_80 = tpu.memref_slice %arg3[%add3A_4] : memref<16384xi32, #tpu.memory_space<hbm>> -> memref<128xi32, #tpu.memory_space<hbm>>
      tpu.wait_dma2 semaphore(%run_scoped3A : memref<!tpu.dma_semaphore, #tpu.memory_space<semaphore_mem>>) src(%dma_wait3A_80 : memref<128xi32, #tpu.memory_space<hbm>>) dst(%arg8 : memref<128xi32, #tpu.memory_space<vmem>>)
      tpu.yield
    }) : () -> ()
    %add3A_5 = arith.constant 128 : i32
    %add3A_6 = arith.addi %mul3A_2, %add3A_5 : i32
    "tpu.region"() ({
      %run_scoped3A = tpu.sem_alloc : memref<!tpu.dma_semaphore, #tpu.memory_space<semaphore_mem>>
      %dma_start3A_77 = tpu.memref_slice %arg3[%add3A_6] : memref<16384xi32, #tpu.memory_space<hbm>> -> memref<128xi32, #tpu.memory_space<hbm>>
      %dma_start3A_78 = tpu.memref_slice %arg3[%add3A_6] : memref<16384xi32, #tpu.memory_space<hbm>> -> memref<128xi32, #tpu.memory_space<hbm>>
      tpu.enqueue_dma source(%dma_start3A_78 : memref<128xi32, #tpu.memory_space<hbm>>) target(%arg9 : memref<128xi32, #tpu.memory_space<vmem>>) target_semaphore(%run_scoped3A : memref<!tpu.dma_semaphore, #tpu.memory_space<semaphore_mem>>)
      %dma_wait3A_79 = tpu.memref_slice %arg3[%add3A_6] : memref<16384xi32, #tpu.memory_space<hbm>> -> memref<128xi32, #tpu.memory_space<hbm>>
      %dma_wait3A_80 = tpu.memref_slice %arg3[%add3A_6] : memref<16384xi32, #tpu.memory_space<hbm>> -> memref<128xi32, #tpu.memory_space<hbm>>
      tpu.wait_dma2 semaphore(%run_scoped3A : memref<!tpu.dma_semaphore, #tpu.memory_space<semaphore_mem>>) src(%dma_wait3A_80 : memref<128xi32, #tpu.memory_space<hbm>>) dst(%arg9 : memref<128xi32, #tpu.memory_space<vmem>>)
      tpu.yield
    }) : () -> ()
    %add3A_7 = arith.constant 256 : i32
    %add3A_8 = arith.addi %mul3A_2, %add3A_7 : i32
    "tpu.region"() ({
      %run_scoped3A = tpu.sem_alloc : memref<!tpu.dma_semaphore, #tpu.memory_space<semaphore_mem>>
      %dma_start3A_77 = tpu.memref_slice %arg3[%add3A_8] : memref<16384xi32, #tpu.memory_space<hbm>> -> memref<128xi32, #tpu.memory_space<hbm>>
      %dma_start3A_78 = tpu.memref_slice %arg3[%add3A_8] : memref<16384xi32, #tpu.memory_space<hbm>> -> memref<128xi32, #tpu.memory_space<hbm>>
      tpu.enqueue_dma source(%dma_start3A_78 : memref<128xi32, #tpu.memory_space<hbm>>) target(%arg10 : memref<128xi32, #tpu.memory_space<vmem>>) target_semaphore(%run_scoped3A : memref<!tpu.dma_semaphore, #tpu.memory_space<semaphore_mem>>)
      %dma_wait3A_79 = tpu.memref_slice %arg3[%add3A_8] : memref<16384xi32, #tpu.memory_space<hbm>> -> memref<128xi32, #tpu.memory_space<hbm>>
      %dma_wait3A_80 = tpu.memref_slice %arg3[%add3A_8] : memref<16384xi32, #tpu.memory_space<hbm>> -> memref<128xi32, #tpu.memory_space<hbm>>
      tpu.wait_dma2 semaphore(%run_scoped3A : memref<!tpu.dma_semaphore, #tpu.memory_space<semaphore_mem>>) src(%dma_wait3A_80 : memref<128xi32, #tpu.memory_space<hbm>>) dst(%arg10 : memref<128xi32, #tpu.memory_space<vmem>>)
      tpu.yield
    }) : () -> ()
    %add3A_9 = arith.constant 384 : i32
    %add3A_10 = arith.addi %mul3A_2, %add3A_9 : i32
    "tpu.region"() ({
      %run_scoped3A = tpu.sem_alloc : memref<!tpu.dma_semaphore, #tpu.memory_space<semaphore_mem>>
      %dma_start3A_77 = tpu.memref_slice %arg3[%add3A_10] : memref<16384xi32, #tpu.memory_space<hbm>> -> memref<128xi32, #tpu.memory_space<hbm>>
      %dma_start3A_78 = tpu.memref_slice %arg3[%add3A_10] : memref<16384xi32, #tpu.memory_space<hbm>> -> memref<128xi32, #tpu.memory_space<hbm>>
      tpu.enqueue_dma source(%dma_start3A_78 : memref<128xi32, #tpu.memory_space<hbm>>) target(%arg11 : memref<128xi32, #tpu.memory_space<vmem>>) target_semaphore(%run_scoped3A : memref<!tpu.dma_semaphore, #tpu.memory_space<semaphore_mem>>)
      %dma_wait3A_79 = tpu.memref_slice %arg3[%add3A_10] : memref<16384xi32, #tpu.memory_space<hbm>> -> memref<128xi32, #tpu.memory_space<hbm>>
      %dma_wait3A_80 = tpu.memref_slice %arg3[%add3A_10] : memref<16384xi32, #tpu.memory_space<hbm>> -> memref<128xi32, #tpu.memory_space<hbm>>
      tpu.wait_dma2 semaphore(%run_scoped3A : memref<!tpu.dma_semaphore, #tpu.memory_space<semaphore_mem>>) src(%dma_wait3A_80 : memref<128xi32, #tpu.memory_space<hbm>>) dst(%arg11 : memref<128xi32, #tpu.memory_space<vmem>>)
      tpu.yield
    }) : () -> ()
    %dma_start3A = arith.constant 0 : i32
    %dma_start3A_11 = arith.constant 0 : i32
    %dma_start3A_12 = tpu.memref_slice %arg2[%dma_start3A, %dma_start3A_11] : memref<100000x128xf32, #tpu.memory_space<hbm>> -> memref<100000x128xf32, #tpu.memory_space<hbm>>
    tpu.enqueue_indirect_dma source(%dma_start3A_12 : memref<100000x128xf32, #tpu.memory_space<hbm>>) target(%arg12 : memref<128x128xf32, #tpu.memory_space<vmem>>) offsets(%arg8 : memref<128xi32, #tpu.memory_space<vmem>>) semaphore(%arg18 : memref<!tpu.dma_semaphore, #tpu.memory_space<semaphore_mem>>)
    %dma_start3A_13 = arith.constant 0 : i32
    %dma_start3A_14 = arith.constant 0 : i32
    %dma_start3A_15 = tpu.memref_slice %arg2[%dma_start3A_13, %dma_start3A_14] : memref<100000x128xf32, #tpu.memory_space<hbm>> -> memref<100000x128xf32, #tpu.memory_space<hbm>>
    tpu.enqueue_indirect_dma source(%dma_start3A_15 : memref<100000x128xf32, #tpu.memory_space<hbm>>) target(%arg13 : memref<128x128xf32, #tpu.memory_space<vmem>>) offsets(%arg9 : memref<128xi32, #tpu.memory_space<vmem>>) semaphore(%arg19 : memref<!tpu.dma_semaphore, #tpu.memory_space<semaphore_mem>>)
    %dma_start3A_16 = arith.constant 0 : i32
    %dma_start3A_17 = arith.constant 0 : i32
    %dma_start3A_18 = tpu.memref_slice %arg2[%dma_start3A_16, %dma_start3A_17] : memref<100000x128xf32, #tpu.memory_space<hbm>> -> memref<100000x128xf32, #tpu.memory_space<hbm>>
    tpu.enqueue_indirect_dma source(%dma_start3A_18 : memref<100000x128xf32, #tpu.memory_space<hbm>>) target(%arg14 : memref<128x128xf32, #tpu.memory_space<vmem>>) offsets(%arg10 : memref<128xi32, #tpu.memory_space<vmem>>) semaphore(%arg20 : memref<!tpu.dma_semaphore, #tpu.memory_space<semaphore_mem>>)
    %dma_start3A_19 = arith.constant 0 : i32
    %dma_start3A_20 = arith.constant 0 : i32
    %dma_start3A_21 = tpu.memref_slice %arg2[%dma_start3A_19, %dma_start3A_20] : memref<100000x128xf32, #tpu.memory_space<hbm>> -> memref<100000x128xf32, #tpu.memory_space<hbm>>
    tpu.enqueue_indirect_dma source(%dma_start3A_21 : memref<100000x128xf32, #tpu.memory_space<hbm>>) target(%arg15 : memref<128x128xf32, #tpu.memory_space<vmem>>) offsets(%arg11 : memref<128xi32, #tpu.memory_space<vmem>>) semaphore(%arg21 : memref<!tpu.dma_semaphore, #tpu.memory_space<semaphore_mem>>)
    "tpu.region"() ({
      %run_scoped3A = tpu.sem_alloc : memref<!tpu.dma_semaphore, #tpu.memory_space<semaphore_mem>>
      %dma_start3A_77 = tpu.memref_slice %arg3[%mul3A_2] : memref<16384xi32, #tpu.memory_space<hbm>> -> memref<512xi32, #tpu.memory_space<hbm>>
      %dma_start3A_78 = tpu.memref_slice %arg3[%mul3A_2] : memref<16384xi32, #tpu.memory_space<hbm>> -> memref<512xi32, #tpu.memory_space<hbm>>
      tpu.enqueue_dma source(%dma_start3A_78 : memref<512xi32, #tpu.memory_space<hbm>>) target(%arg16 : memref<512xi32, #tpu.memory_space<vmem>>) target_semaphore(%run_scoped3A : memref<!tpu.dma_semaphore, #tpu.memory_space<semaphore_mem>>)
      %dma_wait3A_79 = tpu.memref_slice %arg3[%mul3A_2] : memref<16384xi32, #tpu.memory_space<hbm>> -> memref<512xi32, #tpu.memory_space<hbm>>
      %dma_wait3A_80 = tpu.memref_slice %arg3[%mul3A_2] : memref<16384xi32, #tpu.memory_space<hbm>> -> memref<512xi32, #tpu.memory_space<hbm>>
      tpu.wait_dma2 semaphore(%run_scoped3A : memref<!tpu.dma_semaphore, #tpu.memory_space<semaphore_mem>>) src(%dma_wait3A_80 : memref<512xi32, #tpu.memory_space<hbm>>) dst(%arg16 : memref<512xi32, #tpu.memory_space<vmem>>)
      tpu.yield
    }) : () -> ()
    "tpu.region"() ({
      %run_scoped3A = tpu.sem_alloc : memref<!tpu.dma_semaphore, #tpu.memory_space<semaphore_mem>>
      %dma_start3A_77 = tpu.memref_slice %arg4[%mul3A_2] : memref<16384xi32, #tpu.memory_space<hbm>> -> memref<512xi32, #tpu.memory_space<hbm>>
      %dma_start3A_78 = tpu.memref_slice %arg4[%mul3A_2] : memref<16384xi32, #tpu.memory_space<hbm>> -> memref<512xi32, #tpu.memory_space<hbm>>
      tpu.enqueue_dma source(%dma_start3A_78 : memref<512xi32, #tpu.memory_space<hbm>>) target(%arg17 : memref<512xi32, #tpu.memory_space<vmem>>) target_semaphore(%run_scoped3A : memref<!tpu.dma_semaphore, #tpu.memory_space<semaphore_mem>>)
      %dma_wait3A_79 = tpu.memref_slice %arg4[%mul3A_2] : memref<16384xi32, #tpu.memory_space<hbm>> -> memref<512xi32, #tpu.memory_space<hbm>>
      %dma_wait3A_80 = tpu.memref_slice %arg4[%mul3A_2] : memref<16384xi32, #tpu.memory_space<hbm>> -> memref<512xi32, #tpu.memory_space<hbm>>
      tpu.wait_dma2 semaphore(%run_scoped3A : memref<!tpu.dma_semaphore, #tpu.memory_space<semaphore_mem>>) src(%dma_wait3A_80 : memref<512xi32, #tpu.memory_space<hbm>>) dst(%arg17 : memref<512xi32, #tpu.memory_space<vmem>>)
      tpu.yield
    }) : () -> ()
    %dma_start3A_22 = arith.constant 0 : i32
    %dma_start3A_23 = tpu.memref_slice %arg5[%dma_start3A_22] : memref<100000xi32, #tpu.memory_space<hbm>> -> memref<100000xi32, #tpu.memory_space<hbm>>
    tpu.enqueue_indirect_dma source(%arg17 : memref<512xi32, #tpu.memory_space<vmem>>) target(%dma_start3A_23 : memref<100000xi32, #tpu.memory_space<hbm>>) offsets(%arg16 : memref<512xi32, #tpu.memory_space<vmem>>) semaphore(%arg22 : memref<!tpu.dma_semaphore, #tpu.memory_space<semaphore_mem>>)
    %dma_wait3A = arith.constant 0 : i32
    %dma_wait3A_24 = arith.constant 0 : i32
    %dma_wait3A_25 = tpu.memref_slice %arg2[%dma_wait3A, %dma_wait3A_24] : memref<100000x128xf32, #tpu.memory_space<hbm>> -> memref<100000x128xf32, #tpu.memory_space<hbm>>
    tpu.wait_indirect_dma semaphore(%arg18 : memref<!tpu.dma_semaphore, #tpu.memory_space<semaphore_mem>>) src(%dma_wait3A_25 : memref<100000x128xf32, #tpu.memory_space<hbm>>) dst(%arg12 : memref<128x128xf32, #tpu.memory_space<vmem>>)
    %add3A_26 = arith.constant 0 : i32
    %add3A_27 = arith.addi %mul3A_2, %add3A_26 : i32
    %dma_start3A_28 = arith.constant 0 : i32
    %dma_start3A_29 = tpu.memref_slice %arg6[%add3A_27, %dma_start3A_28] : memref<16384x128xf32, #tpu.memory_space<hbm>> -> memref<128x128xf32, #tpu.memory_space<hbm>>
    %dma_start3A_30 = arith.constant 0 : i32
    %dma_start3A_31 = tpu.memref_slice %arg6[%add3A_27, %dma_start3A_30] : memref<16384x128xf32, #tpu.memory_space<hbm>> -> memref<128x128xf32, #tpu.memory_space<hbm>>
    tpu.enqueue_dma source(%arg12 : memref<128x128xf32, #tpu.memory_space<vmem>>) target(%dma_start3A_31 : memref<128x128xf32, #tpu.memory_space<hbm>>) target_semaphore(%arg23 : memref<!tpu.dma_semaphore, #tpu.memory_space<semaphore_mem>>)
    %dma_wait3A_32 = arith.constant 0 : i32
    %dma_wait3A_33 = arith.constant 0 : i32
    %dma_wait3A_34 = tpu.memref_slice %arg2[%dma_wait3A_32, %dma_wait3A_33] : memref<100000x128xf32, #tpu.memory_space<hbm>> -> memref<100000x128xf32, #tpu.memory_space<hbm>>
    tpu.wait_indirect_dma semaphore(%arg19 : memref<!tpu.dma_semaphore, #tpu.memory_space<semaphore_mem>>) src(%dma_wait3A_34 : memref<100000x128xf32, #tpu.memory_space<hbm>>) dst(%arg13 : memref<128x128xf32, #tpu.memory_space<vmem>>)
    %add3A_35 = arith.constant 128 : i32
    %add3A_36 = arith.addi %mul3A_2, %add3A_35 : i32
    %dma_start3A_37 = arith.constant 0 : i32
    %dma_start3A_38 = tpu.memref_slice %arg6[%add3A_36, %dma_start3A_37] : memref<16384x128xf32, #tpu.memory_space<hbm>> -> memref<128x128xf32, #tpu.memory_space<hbm>>
    %dma_start3A_39 = arith.constant 0 : i32
    %dma_start3A_40 = tpu.memref_slice %arg6[%add3A_36, %dma_start3A_39] : memref<16384x128xf32, #tpu.memory_space<hbm>> -> memref<128x128xf32, #tpu.memory_space<hbm>>
    tpu.enqueue_dma source(%arg13 : memref<128x128xf32, #tpu.memory_space<vmem>>) target(%dma_start3A_40 : memref<128x128xf32, #tpu.memory_space<hbm>>) target_semaphore(%arg23 : memref<!tpu.dma_semaphore, #tpu.memory_space<semaphore_mem>>)
    %dma_wait3A_41 = arith.constant 0 : i32
    %dma_wait3A_42 = arith.constant 0 : i32
    %dma_wait3A_43 = tpu.memref_slice %arg2[%dma_wait3A_41, %dma_wait3A_42] : memref<100000x128xf32, #tpu.memory_space<hbm>> -> memref<100000x128xf32, #tpu.memory_space<hbm>>
    tpu.wait_indirect_dma semaphore(%arg20 : memref<!tpu.dma_semaphore, #tpu.memory_space<semaphore_mem>>) src(%dma_wait3A_43 : memref<100000x128xf32, #tpu.memory_space<hbm>>) dst(%arg14 : memref<128x128xf32, #tpu.memory_space<vmem>>)
    %add3A_44 = arith.constant 256 : i32
    %add3A_45 = arith.addi %mul3A_2, %add3A_44 : i32
    %dma_start3A_46 = arith.constant 0 : i32
    %dma_start3A_47 = tpu.memref_slice %arg6[%add3A_45, %dma_start3A_46] : memref<16384x128xf32, #tpu.memory_space<hbm>> -> memref<128x128xf32, #tpu.memory_space<hbm>>
    %dma_start3A_48 = arith.constant 0 : i32
    %dma_start3A_49 = tpu.memref_slice %arg6[%add3A_45, %dma_start3A_48] : memref<16384x128xf32, #tpu.memory_space<hbm>> -> memref<128x128xf32, #tpu.memory_space<hbm>>
    tpu.enqueue_dma source(%arg14 : memref<128x128xf32, #tpu.memory_space<vmem>>) target(%dma_start3A_49 : memref<128x128xf32, #tpu.memory_space<hbm>>) target_semaphore(%arg23 : memref<!tpu.dma_semaphore, #tpu.memory_space<semaphore_mem>>)
    %dma_wait3A_50 = arith.constant 0 : i32
    %dma_wait3A_51 = arith.constant 0 : i32
    %dma_wait3A_52 = tpu.memref_slice %arg2[%dma_wait3A_50, %dma_wait3A_51] : memref<100000x128xf32, #tpu.memory_space<hbm>> -> memref<100000x128xf32, #tpu.memory_space<hbm>>
    tpu.wait_indirect_dma semaphore(%arg21 : memref<!tpu.dma_semaphore, #tpu.memory_space<semaphore_mem>>) src(%dma_wait3A_52 : memref<100000x128xf32, #tpu.memory_space<hbm>>) dst(%arg15 : memref<128x128xf32, #tpu.memory_space<vmem>>)
    %add3A_53 = arith.constant 384 : i32
    %add3A_54 = arith.addi %mul3A_2, %add3A_53 : i32
    %dma_start3A_55 = arith.constant 0 : i32
    %dma_start3A_56 = tpu.memref_slice %arg6[%add3A_54, %dma_start3A_55] : memref<16384x128xf32, #tpu.memory_space<hbm>> -> memref<128x128xf32, #tpu.memory_space<hbm>>
    %dma_start3A_57 = arith.constant 0 : i32
    %dma_start3A_58 = tpu.memref_slice %arg6[%add3A_54, %dma_start3A_57] : memref<16384x128xf32, #tpu.memory_space<hbm>> -> memref<128x128xf32, #tpu.memory_space<hbm>>
    tpu.enqueue_dma source(%arg15 : memref<128x128xf32, #tpu.memory_space<vmem>>) target(%dma_start3A_58 : memref<128x128xf32, #tpu.memory_space<hbm>>) target_semaphore(%arg23 : memref<!tpu.dma_semaphore, #tpu.memory_space<semaphore_mem>>)
    %dma_wait3A_59 = arith.constant 0 : i32
    %dma_wait3A_60 = tpu.memref_slice %arg5[%dma_wait3A_59] : memref<100000xi32, #tpu.memory_space<hbm>> -> memref<100000xi32, #tpu.memory_space<hbm>>
    tpu.wait_indirect_dma semaphore(%arg22 : memref<!tpu.dma_semaphore, #tpu.memory_space<semaphore_mem>>) src(%arg17 : memref<512xi32, #tpu.memory_space<vmem>>) dst(%dma_wait3A_60 : memref<100000xi32, #tpu.memory_space<hbm>>)
    %dma_wait3A_61 = arith.constant 0 : i32
    %dma_wait3A_62 = tpu.memref_slice %arg6[%add3A_27, %dma_wait3A_61] : memref<16384x128xf32, #tpu.memory_space<hbm>> -> memref<128x128xf32, #tpu.memory_space<hbm>>
    %dma_wait3A_63 = arith.constant 0 : i32
    %dma_wait3A_64 = tpu.memref_slice %arg6[%add3A_27, %dma_wait3A_63] : memref<16384x128xf32, #tpu.memory_space<hbm>> -> memref<128x128xf32, #tpu.memory_space<hbm>>
    tpu.wait_dma2 semaphore(%arg23 : memref<!tpu.dma_semaphore, #tpu.memory_space<semaphore_mem>>) src(%arg12 : memref<128x128xf32, #tpu.memory_space<vmem>>) dst(%dma_wait3A_64 : memref<128x128xf32, #tpu.memory_space<hbm>>)
    %dma_wait3A_65 = arith.constant 0 : i32
    %dma_wait3A_66 = tpu.memref_slice %arg6[%add3A_36, %dma_wait3A_65] : memref<16384x128xf32, #tpu.memory_space<hbm>> -> memref<128x128xf32, #tpu.memory_space<hbm>>
    %dma_wait3A_67 = arith.constant 0 : i32
    %dma_wait3A_68 = tpu.memref_slice %arg6[%add3A_36, %dma_wait3A_67] : memref<16384x128xf32, #tpu.memory_space<hbm>> -> memref<128x128xf32, #tpu.memory_space<hbm>>
    tpu.wait_dma2 semaphore(%arg23 : memref<!tpu.dma_semaphore, #tpu.memory_space<semaphore_mem>>) src(%arg13 : memref<128x128xf32, #tpu.memory_space<vmem>>) dst(%dma_wait3A_68 : memref<128x128xf32, #tpu.memory_space<hbm>>)
    %dma_wait3A_69 = arith.constant 0 : i32
    %dma_wait3A_70 = tpu.memref_slice %arg6[%add3A_45, %dma_wait3A_69] : memref<16384x128xf32, #tpu.memory_space<hbm>> -> memref<128x128xf32, #tpu.memory_space<hbm>>
    %dma_wait3A_71 = arith.constant 0 : i32
    %dma_wait3A_72 = tpu.memref_slice %arg6[%add3A_45, %dma_wait3A_71] : memref<16384x128xf32, #tpu.memory_space<hbm>> -> memref<128x128xf32, #tpu.memory_space<hbm>>
    tpu.wait_dma2 semaphore(%arg23 : memref<!tpu.dma_semaphore, #tpu.memory_space<semaphore_mem>>) src(%arg14 : memref<128x128xf32, #tpu.memory_space<vmem>>) dst(%dma_wait3A_72 : memref<128x128xf32, #tpu.memory_space<hbm>>)
    %dma_wait3A_73 = arith.constant 0 : i32
    %dma_wait3A_74 = tpu.memref_slice %arg6[%add3A_54, %dma_wait3A_73] : memref<16384x128xf32, #tpu.memory_space<hbm>> -> memref<128x128xf32, #tpu.memory_space<hbm>>
    %dma_wait3A_75 = arith.constant 0 : i32
    %dma_wait3A_76 = tpu.memref_slice %arg6[%add3A_54, %dma_wait3A_75] : memref<16384x128xf32, #tpu.memory_space<hbm>> -> memref<128x128xf32, #tpu.memory_space<hbm>>
    tpu.wait_dma2 semaphore(%arg23 : memref<!tpu.dma_semaphore, #tpu.memory_space<semaphore_mem>>) src(%arg15 : memref<128x128xf32, #tpu.memory_space<vmem>>) dst(%dma_wait3A_76 : memref<128x128xf32, #tpu.memory_space<hbm>>)
    return
  }
}

module attributes {stable_mosaic.version = 14 : i64} {
  func.func @_tc_copy_body(%arg0: i32, %arg1: memref<5000x128xf32, #tpu.memory_space<vmem>>, %arg2: memref<5000x128xf32, #tpu.memory_space<vmem>>) attributes {dimension_semantics = [#tpu.dimension_semantics<arbitrary>], iteration_bounds = array<i64: 20>, scalar_prefetch = 0 : i64, scratch_operands = 0 : i64, tpu.core_type = #tpu.core_type<tc>, window_params = [{transform_indices = @transform_0, window_bounds = array<i64: 5000, 128>}, {transform_indices = @transform_1, window_bounds = array<i64: 5000, 128>}]} {
    %get3A = arith.constant 0 : index
    %get3A_0 = arith.constant 0 : index
    %get3A_1 = vector.load %arg1[%get3A, %get3A_0] : memref<5000x128xf32, #tpu.memory_space<vmem>>, vector<5000x128xf32>
    %swap3A = arith.constant 0 : index
    %swap3A_2 = arith.constant 0 : index
    %swap3A_3 = vector.load %arg2[%swap3A, %swap3A_2] : memref<5000x128xf32, #tpu.memory_space<vmem>>, vector<5000x128xf32>
    tpu.vector_store %arg2[%swap3A, %swap3A_2], %get3A_1 {strides = array<i32>} : memref<5000x128xf32, #tpu.memory_space<vmem>>, vector<5000x128xf32>,
    return
  }
  func.func @transform_0(%arg0: i32) -> (i32, i32) {
    %c0_i32 = arith.constant 0 : i32
    %c0_i32_0 = arith.constant 0 : i32
    return %arg0, %c0_i32 : i32, i32
  }
  func.func @transform_1(%arg0: i32) -> (i32, i32) {
    %c0_i32 = arith.constant 0 : i32
    %c0_i32_0 = arith.constant 0 : i32
    return %arg0, %c0_i32 : i32, i32
  }
}

module attributes {stable_mosaic.version = 14 : i64} {
  func.func @_tc_body(%arg0: i32, %arg1: memref<2048x128xf32, #tpu.memory_space<vmem>>, %arg2: memref<2048x128xf32, #tpu.memory_space<vmem>>, %arg3: memref<128x128xf32, #tpu.memory_space<vmem>>, %arg4: memref<128x128xf32, #tpu.memory_space<vmem>>, %arg5: memref<128x128xf32, #tpu.memory_space<vmem>>, %arg6: memref<2048x128xf32, #tpu.memory_space<vmem>>) attributes {dimension_semantics = [#tpu.dimension_semantics<arbitrary>], iteration_bounds = array<i64: 8>, scalar_prefetch = 0 : i64, scratch_operands = 0 : i64, tpu.core_type = #tpu.core_type<tc>, window_params = [{transform_indices = @transform_0, window_bounds = array<i64: 2048, 128>}, {transform_indices = @transform_1, window_bounds = array<i64: 2048, 128>}, {pipeline_mode = #tpu.pipeline_mode<synchronous>, transform_indices = @transform_2, window_bounds = array<i64: 128, 128>}, {pipeline_mode = #tpu.pipeline_mode<synchronous>, transform_indices = @transform_3, window_bounds = array<i64: 128, 128>}, {pipeline_mode = #tpu.pipeline_mode<synchronous>, transform_indices = @transform_4, window_bounds = array<i64: 128, 128>}, {transform_indices = @transform_5, window_bounds = array<i64: 2048, 128>}]} {
    %get3A = arith.constant 0 : index
    %get3A_0 = arith.constant 0 : index
    %get3A_1 = vector.load %arg2[%get3A, %get3A_0] : memref<2048x128xf32, #tpu.memory_space<vmem>>, vector<2048x128xf32>
    %get3A_2 = arith.constant 0 : index
    %get3A_3 = arith.constant 0 : index
    %get3A_4 = vector.load %arg1[%get3A_2, %get3A_3] : memref<2048x128xf32, #tpu.memory_space<vmem>>, vector<2048x128xf32>
    %get3A_5 = arith.constant 0 : index
    %get3A_6 = arith.constant 0 : index
    %get3A_7 = vector.load %arg3[%get3A_5, %get3A_6] : memref<128x128xf32, #tpu.memory_space<vmem>>, vector<128x128xf32>
    %dot_general3A = arith.constant dense<0.000000e+00> : vector<2048x128xf32>
    %dot_general3A_8 = tpu.matmul %get3A_1, %get3A_7, %dot_general3A {dimension_numbers = #tpu.dot_dimension_numbers<[1], [0], [0], [1], [0, 0, 1, 1], [], []>, transpose_lhs_hint = false} : vector<2048x128xf32>, vector<128x128xf32>, vector<2048x128xf32> -> vector<2048x128xf32>
    %get3A_9 = arith.constant 0 : index
    %get3A_10 = arith.constant 0 : index
    %get3A_11 = vector.load %arg4[%get3A_9, %get3A_10] : memref<128x128xf32, #tpu.memory_space<vmem>>, vector<128x128xf32>
    %dot_general3A_12 = arith.constant dense<0.000000e+00> : vector<2048x128xf32>
    %dot_general3A_13 = tpu.matmul %get3A_4, %get3A_11, %dot_general3A_12 {dimension_numbers = #tpu.dot_dimension_numbers<[1], [0], [0], [1], [0, 0, 1, 1], [], []>, transpose_lhs_hint = false} : vector<2048x128xf32>, vector<128x128xf32>, vector<2048x128xf32> -> vector<2048x128xf32>
    %add3A = arith.addf %dot_general3A_8, %dot_general3A_13 : vector<2048x128xf32>
    %tanh3A = math.tanh %add3A : vector<2048x128xf32>
    %max3A = arith.constant 0.000000e+00 : f32
    %max3A_14 = vector.broadcast %max3A : f32 to vector<2048x128xf32>
    %max3A_15 = arith.maximumf %tanh3A, %max3A_14 : vector<2048x128xf32>
    %mul3A = arith.constant 5.000000e-01 : f32
    %mul3A_16 = vector.broadcast %mul3A : f32 to vector<2048x128xf32>
    %mul3A_17 = arith.mulf %max3A_15, %mul3A_16 : vector<2048x128xf32>
    %get3A_18 = arith.constant 0 : index
    %get3A_19 = arith.constant 0 : index
    %get3A_20 = vector.load %arg5[%get3A_18, %get3A_19] : memref<128x128xf32, #tpu.memory_space<vmem>>, vector<128x128xf32>
    %dot_general3A_21 = arith.constant dense<0.000000e+00> : vector<2048x128xf32>
    %dot_general3A_22 = tpu.matmul %get3A_1, %get3A_20, %dot_general3A_21 {dimension_numbers = #tpu.dot_dimension_numbers<[1], [0], [0], [1], [0, 0, 1, 1], [], []>, transpose_lhs_hint = false} : vector<2048x128xf32>, vector<128x128xf32>, vector<2048x128xf32> -> vector<2048x128xf32>
    %tanh3A_23 = math.tanh %dot_general3A_22 : vector<2048x128xf32>
    %sub3A = arith.constant 1.000000e+00 : f32
    %sub3A_24 = vector.broadcast %sub3A : f32 to vector<2048x128xf32>
    %sub3A_25 = arith.subf %sub3A_24, %mul3A_17 : vector<2048x128xf32>
    %mul3A_26 = arith.mulf %get3A_4, %sub3A_25 : vector<2048x128xf32>
    %mul3A_27 = arith.mulf %mul3A_17, %tanh3A_23 : vector<2048x128xf32>
    %add3A_28 = arith.addf %mul3A_26, %mul3A_27 : vector<2048x128xf32>
    %swap3A = arith.constant 0 : index
    %swap3A_29 = arith.constant 0 : index
    %swap3A_30 = vector.load %arg6[%swap3A, %swap3A_29] : memref<2048x128xf32, #tpu.memory_space<vmem>>, vector<2048x128xf32>
    tpu.vector_store %arg6[%swap3A, %swap3A_29], %add3A_28 {strides = array<i32>} : memref<2048x128xf32, #tpu.memory_space<vmem>>, vector<2048x128xf32>,
    return
  }
  func.func @transform_0(%arg0: i32) -> (i32, i32) {
    %c0_i32 = arith.constant 0 : i32
    %c0_i32_0 = arith.constant 0 : i32
    return %arg0, %c0_i32 : i32, i32
  }
  func.func @transform_1(%arg0: i32) -> (i32, i32) {
    %c0_i32 = arith.constant 0 : i32
    %c0_i32_0 = arith.constant 0 : i32
    return %arg0, %c0_i32 : i32, i32
  }
  func.func @transform_2(%arg0: i32) -> (i32, i32) {
    %c0_i32 = arith.constant 0 : i32
    %c0_i32_0 = arith.constant 0 : i32
    %c0_i32_1 = arith.constant 0 : i32
    return %c0_i32, %c0_i32_0 : i32, i32
  }
  func.func @transform_3(%arg0: i32) -> (i32, i32) {
    %c0_i32 = arith.constant 0 : i32
    %c0_i32_0 = arith.constant 0 : i32
    %c0_i32_1 = arith.constant 0 : i32
    return %c0_i32, %c0_i32_0 : i32, i32
  }
  func.func @transform_4(%arg0: i32) -> (i32, i32) {
    %c0_i32 = arith.constant 0 : i32
    %c0_i32_0 = arith.constant 0 : i32
    %c0_i32_1 = arith.constant 0 : i32
    return %c0_i32, %c0_i32_0 : i32, i32
  }
  func.func @transform_5(%arg0: i32) -> (i32, i32) {
    %c0_i32 = arith.constant 0 : i32
    %c0_i32_0 = arith.constant 0 : i32
    return %arg0, %c0_i32 : i32, i32
  }
}

</mosaic_0001>

<sc_bundles>
// kernel: kernel.6.cloned.1.call-start
scs
__scs_entry_jumppad:
0x0: {  	(pc) =	sbr.rel $0x88, $3  }
0x1: {  	(tag) =	ssettag $0x0;
	lr =	simm.s32 $0x1  }
0x2: {  	[smem:$0x3F9A] =	sst lr;
	_ =	strace $0xD0000000  }
0x3: {  	_ = 	snop  }
0x4: {  	_ = 	snop  }
0x5: {  	_ = 	snop  }
0x6: {  	_ = 	snop  }
0x7: {  	_ = 	snop  }
__scs_overlays_trampoline_lowered:
0x8: {  	[smem:$0x3FA9] =	sst s0  }
0x9: {  	[smem:$0x3FAA] =	sst s1  }
0xa: {  	[smem:$0x3FAB] =	sst s2  }
0xb: {  	[smem:$0x3FAC] =	sst s3  }
0xc: {  	[smem:$0x3FAD] =	sst s4  }
0xd: {  	[smem:$0x3FAE] =	sst s5  }
0xe: {  	[smem:$0x3FAF] =	sst s6  }
0xf: {  	[smem:$0x3FB0] =	sst s7  }
0x10: {  	[smem:$0x3FB1] =	sst s8  }
0x11: {  	[smem:$0x3FB2] =	sst s9;
	s0 =	simm.s32 @!p0 $0x0  }
0x12: {  	s1 =	sld [smem:$0x3F98];
	s0 =	simm.s32 @p0 $0x1  }
0x13: {  	[smem:$0x3FB3] =	sst s0;
	s0 =	simm.s32 @!p1 $0x0  }
0x14: {  	s2 =	sld [smem:$0x3F97];
	s0 =	simm.s32 @p1 $0x1  }
0x15: {  	[smem:$0x3FB4] =	sst s0;
	s0 =	simm.s32 @!p2 $0x0  }
0x16: {  	s3 =	sld [smem:$0x3FDB];
	s0 =	simm.s32 @p2 $0x1  }
0x17: {  	s4 =	simm.s32 $0x1BF5;
	[smem:$0x3FB6] =	sst s0  }
0x18: {  	s0 =	sld [smem:$0x3F99];
	_ =	swait.ge [sflag:s4], $0x0  }
0x19: {  	s7 =	sld [smem:$0x3F9A]  }
0x1a: {  	s8 =	sadd.s32 $0xFFFFE003, lr  }
0x1b: {  	s9 =	sadd.s32 $0xFFFFFEF7, lr;
	s5 =	simm.s32 $0xFFFFFFFF;
	p2 =	slt.u32 s8, $0xFFFFF086  }
0x1c: {  	p1 =	slt.u32 s9, $0xF7A;
	s5 =	simm.s32 @!p2 $0x0  }
0x1d: {  	s5 =	simm.s32 @p1 $0x1;
	p0 =	seq.s32 s7, s2  }
0x1e: {  	s7 =	smul.u32 @!p0 $0xF7A, s2;
	p2 =	seq.s32 @!p0 s5, $0x0  }
0x1f: {  	s9 =	smul.u32 $0xF7A, s1;
	s8 =	simm.s32 @!p0 $0x1BF5;
	p2 =	por !p2, p0  }
0x20: {  	[sflag:s8] =	ssyncset.s32 @!p0 $0xFFFFF086;
	s6 =	sadd.s32 @!p0 s3, s7;
	s7 =	simm.s32 @!p0 $0x108  }
0x21: {  	s3 =	sadd.s32 s3, s9;
	s6 =	sadd.s32 @!p0 $0x88, s6;
	s7 =	simm.s32 @p2 $0x1082  }
0x22: {  	[simem:s7], [sflag:s8] =	dma.local @!p0 [hbm:s6], $0xF7A  }
0x23: {  	s9 =	sor.u32 $0xD0000000, s2;
	s6 =	simm.s32 $0x108;
	_ =	swait.ge @!p0 [sflag:s8], $0x0  }
0x24: {  	s3 =	sadd.s32 $0x88, s3;
	s6 =	simm.s32 @!p1 $0x1082;
	[sflag:s4] =	ssyncset.s32 $0xFFFFF086  }
0x25: {  	[simem:s6], [sflag:s4] =	dma.local [hbm:s3], $0xF7A  }
0x26: {  	[smem:$0x3F9A] =	sst s1;
	(tag) =	ssettag s2;
	_ =	strace s9  }
0x27: {  	s1 =	sld [smem:$0x3FAA]  }
0x28: {  	s2 =	sld [smem:$0x3FAB]  }
0x29: {  	s4 =	sld [smem:$0x3FAD]  }
0x2a: {  	p0 =	seq.s32 s5, $0x0;
	s5 =	sld [smem:$0x3FAE]  }
0x2b: {  	s6 =	sld [smem:$0x3FAF]  }
0x2c: {  	s7 =	sld [smem:$0x3FB0]  }
0x2d: {  	s3 =	simm.s32 $0x108;
	s8 =	sld [smem:$0x3FB1]  }
0x2e: {  	s3 =	simm.s32 @!p0 $0x1082;
	s9 =	sld [smem:$0x3FB2]  }
0x2f: {  	lr =	sadd.s32 s0, s3;
	s0 =	sld [smem:$0x3FA9]  }
0x30: {  	s3 =	sld [smem:$0x3FAC]  }
0x31: {  	[smem:$0x3FB5] =	sst s10  }
0x32: {  	s10 =	sld [smem:$0x3FB3];
	_ =	sdelay $0x3  }
0x33: {  	p0 =	seq.s32 s10, $0x1;
	s10 =	sld [smem:$0x3FB5];
	_ =	sdelay $0x3  }
0x34: {  	[smem:$0x3FB5] =	sst s10  }
0x35: {  	s10 =	sld [smem:$0x3FB4];
	_ =	sdelay $0x3  }
0x36: {  	p1 =	seq.s32 s10, $0x1;
	s10 =	sld [smem:$0x3FB5];
	_ =	sdelay $0x3  }
0x37: {  	[smem:$0x3FB5] =	sst s10  }
0x38: {  	s10 =	sld [smem:$0x3FB6]  }
0x39: {  	_ = 	snop;
	(pc) =	sbr.ind lr, $3  }
0x3a: {  	_ = 	snop  }
0x3b: {  	_ = 	snop  }
0x3c: {  	p2 =	seq.s32 s10, $0x1;
	s10 =	sld [smem:$0x3FB5]  }
0x3d: {  	_ =	shalt  }
0x3e: {  	_ =	shalt  }
0x3f: {  	_ =	shalt  }
0x40: {  	_ =	shalt  }
0x41: {  	_ =	shalt  }
0x42: {  	_ =	shalt  }
0x43: {  	_ =	shalt  }
0x44: {  	_ =	shalt  }
0x45: {  	_ =	shalt  }
0x46: {  	_ =	shalt  }
0x47: {  	_ =	shalt  }
0x48: {  	_ =	shalt  }
0x49: {  	_ =	shalt  }
0x4a: {  	_ =	shalt  }
0x4b: {  	_ =	shalt  }
0x4c: {  	_ =	shalt  }
0x4d: {  	_ =	shalt  }
0x4e: {  	_ =	shalt  }
0x4f: {  	_ =	shalt  }
0x50: {  	_ =	shalt  }
0x51: {  	_ =	shalt  }
0x52: {  	_ =	shalt  }
0x53: {  	_ =	shalt  }
0x54: {  	_ =	shalt  }
0x55: {  	_ =	shalt  }
0x56: {  	_ =	shalt  }
0x57: {  	_ =	shalt  }
0x58: {  	_ =	shalt  }
0x59: {  	_ =	shalt  }
0x5a: {  	_ =	shalt  }
0x5b: {  	_ =	shalt  }
0x5c: {  	_ =	shalt  }
0x5d: {  	_ =	shalt  }
0x5e: {  	_ =	shalt  }
0x5f: {  	_ =	shalt  }
0x60: {  	_ =	shalt  }
0x61: {  	_ =	shalt  }
0x62: {  	_ =	shalt  }
0x63: {  	_ =	shalt  }
0x64: {  	_ =	shalt  }
0x65: {  	_ =	shalt  }
0x66: {  	_ =	shalt  }
0x67: {  	_ =	shalt  }
0x68: {  	_ =	shalt  }
0x69: {  	_ =	shalt  }
0x6a: {  	_ =	shalt  }
0x6b: {  	_ =	shalt  }
0x6c: {  	_ =	shalt  }
0x6d: {  	_ =	shalt  }
0x6e: {  	_ =	shalt  }
0x6f: {  	_ =	shalt  }
0x70: {  	_ =	shalt  }
0x71: {  	_ =	shalt  }
0x72: {  	_ =	shalt  }
0x73: {  	_ =	shalt  }
0x74: {  	_ =	shalt  }
0x75: {  	_ =	shalt  }
0x76: {  	_ =	shalt  }
0x77: {  	_ =	shalt  }
0x78: {  	_ =	shalt  }
0x79: {  	_ =	shalt  }
0x7a: {  	_ =	shalt  }
0x7b: {  	_ =	shalt  }
0x7c: {  	_ =	shalt  }
0x7d: {  	_ =	shalt  }
0x7e: {  	_ =	shalt  }
0x7f: {  	_ =	shalt  }
0x80: {  	_ =	shalt  }
0x81: {  	_ =	shalt  }
0x82: {  	_ =	shalt  }
0x83: {  	_ =	shalt  }
0x84: {  	_ =	shalt  }
0x85: {  	_ =	shalt  }
0x86: {  	_ =	shalt  }
0x87: {  	_ =	shalt  }
.Lfunc_end0:
.L_simem_size_0:
called_computation_lowered:
.L_overlay_start_0:
0x88: {  	s2 =	sld [smem:$0x3FD9]  }
0x89: {  	s3 =	sld [smem:$0x3FFE];
	_ =	sdelay $0x1  }
0x8a: {  	s1 =	srdreg.scid  }
0x8b: {  	s0 =	sand.u32 $0x1, s1  }
0x8c: {  	s14 =	sshll.u32 s0, $0xA;
	s2 =	sadd.s32 s3, s2  }
0x8d: {  	s2 =	sadd.s32 s2, s14  }
0x8e: {  	[smem:$0x3FC1] =	sst s2  }
0x8f: {  	_ = 	snop  }
0x90: {  	s2 =	sld [smem:$0x3FD0]  }
0x91: {  	s15 =	sld [smem:$0x3FC9]  }
0x92: {  	s4 =	sld [smem:$0x3FC5]  }
0x93: {  	s6 =	simm.s32 $0xA;
	s7 =	simm.s32 $0x10;
	s5 =	sld [smem:$0x3FC4]  }
0x94: {  	[smem:s7], [sflag:s6] =	dma.local [hbm:s2], $0x1  }
0x95: {  	_ =	swait.eq [sflag:s6], $0x1  }
0x96: {  	[sflag:s6] =	ssyncset.done $0x0  }
0x97: {  	[sflag:s6] =	ssyncadd.s32 $0xFFFFFFFF  }
0x98: {  	s16 =	sld [smem:$0x11];
	(tm) =	ssettm $0x1  }
0x99: {  	s17 =	sld [smem:$0x3FFB];
	_ =	sdelay $0x3  }
0x9a: {  	_ =	strace s17  }
0x9b: {  	s6 =	sld [smem:$0x3FFC];
	_ =	sdelay $0x3  }
0x9c: {  	_ =	strace s6  }
0x9d: {  	s6 =	sld [smem:$0x3FFD];
	_ =	sdelay $0x3  }
0x9e: {  	_ =	strace s6  }
0x9f: {  	_ =	strace $0x8FFFFFFF  }
0xa0: {  	s18 =	sld [smem:$0x3FDB];
	_ =	sdelay $0x1  }
0xa1: {  	s19 =	simm.s32 $_scs_section_size  }
0xa2: {  	s8 =	simm.s32 $_size__tile_overlayer_lowered;
	s9 =	simm.s32 $_tile_overlayer_lowered  }
0xa3: {  	s22 =	simm.s32 $0x1BFF;
	s21 =	sshll.u32 s9, $0x1;
	s6 =	sadd.s32 s19, s18  }
0xa4: {  	s10 =	simm.s32 $0x0;
	s20 =	sshll.u32 s8, $0x1;
	s8 =	sadd.s32 s21, s6  }
0xa5: {  	[timem:s10], [sflag:s22] =	dma.local [hbm:s8], s20  }
0xa6: {  	_ =	swait.ge [sflag:s22], s20  }
0xa7: {  	s7 =	ssub.s32 $0x0, s20;
	[sflag:s22] =	ssyncset.done $0x0  }
0xa8: {  	[sflag:s22] =	ssyncadd.s32 s7;
	_ =	sdelay $0x1  }
0xa9: {  	s23 =	simm.s32 $0x1B8B  }
0xaa: {  	_ =	swait.ge [sflag:s23], $0x1  }
0xab: {  	[sflag:s23] =	ssyncset.done $0x0  }
0xac: {  	s25 =	simm.s32 $0x1B8E;
	s24 =	sld [smem:$0x3FFE];
	[sflag:s23] =	ssyncadd.s32 $0xFFFFFFFF  }
0xad: {  	s26 =	simm.s32 $execute0_lowered;
	[smem:$0x3FD2] =	sst s25  }
0xae: {  	s8 =	sshll.u32 s26, $0x1;
	_ =	strace $0x80000046;
	[dreg:$0x1] =	wrdreg $0xFFFFFFFF  }
0xaf: {  	s28 =	simm.s32 $_size_execute0_lowered;
	s6 =	sadd.s32 s6, s8;
	[dreg:$0x0] =	wrdreg $0x0  }
0xb0: {  	s8 =	sshll.u32 s28, $0x1;
	[dreg:$0x2] =	wrdreg s6  }
0xb1: {  	[dreg:$0x3] =	wrdreg s8  }
0xb2: {  	[dreg:$0x4] =	wrdreg $0xC0  }
0xb3: {  	_ =	task [dreg:s10], $0x5FFFF  }
0xb4: {  	[dreg:$0x1] =	wrdreg $0xFFFFFFFF  }
0xb5: {  	[dreg:$0x0] =	wrdreg $0x60  }
0xb6: {  	[dreg:$0x2] =	wrdreg s15  }
0xb7: {  	[dreg:$0x3] =	wrdreg s4  }
0xb8: {  	[dreg:$0x4] =	wrdreg s5  }
0xb9: {  	[dreg:$0x5] =	wrdreg s16  }
0xba: {  	[dreg:$0x6] =	wrdreg s24  }
0xbb: {  	[dreg:$0x7] =	wrdreg $0x9  }
0xbc: {  	_ =	task.clear_ibuf [dreg:s10], $0x8FFFF;
	_ =	strace $0x90000046  }
0xbd: {  	s29 =	simm.s32 $0x9;
	_ =	strace $0x80000048  }
0xbe: {  	_ =	swait.ge [sflag:s29], $0x1  }
0xbf: {  	[sflag:s29] =	ssyncadd.s32 $0xFFFFFFFF  }
0xc0: {  	_ =	strace $0x90000048  }
0xc1: {  	_ =	sfence  }
0xc2: {  	s30 =	sld [smem:$0x0];
	_ =	sdelay $0x2  }
0xc3: {  	s31 =	sshll.u32 s1, $0xD;
	s1 =	sshrl.u32 s1, $0x2  }
0xc4: {  	s3 =	sand.u32 $0x4000, s31;
	s1 =	sadd.s32 s1, s30  }
0xc5: {  	s0 =	sor.u32 s3, s0;
	s1 =	sshll.u32 s1, $0x11  }
0xc6: {  	s0 =	sor.u32 s1, s0  }
0xc7: {  	s0 =	sadd.s32 $0x8F2B, s0  }
0xc8: {  	[sflag:s0] =	ssyncadd.remote.s32 $0x1  }
0xc9: {  	_ =	sfence.sel $0xFFFF  }
0xca: {  	[dreg:$0x0] =	wrdreg $0xFFFFFFFF;
	(pc) =	sbr.abs _section_cstart, $3  }
0xcb: {  	[dreg:$0x1] =	wrdreg $0xFFFFFFFF  }
0xcc: {  	_ =	task.clear_ibuf [dreg:s10], $0x2FFFF;
	_ =	strace $0x9FFFFFFF  }
0xcd: {  	(tm) =	ssettm $0x7FFFFFFF  }
tec
execute0_lowered:
.L_overlay_start_1:
0x0: {  	(tag) =	ssettag $0x1  }
0x1: {  	s1 =	rddreg [dreg:$0x0]  }
0x2: {  	s11 =	rddreg [dreg:$0x1];
	s2 =	srdreg.scid  }
0x3: {  	s18 =	rddreg [dreg:$0x2];
	s0 =	stileid.u32;
	s31 =	sand.u32 $0x1, s2  }
0x4: {  	s3 =	rddreg [dreg:$0x3];
	s5 =	sshll.u32 s0, $0xA;
	s6 =	sshll.u32 s31, $0x9  }
0x5: {  	s21 =	rddreg [dreg:$0x4];
	s4 =	simm.s32 $0x0;
	s22 =	sor.u32 s6, s5  }
0x6: {  	[smem:$0x7FF] =	sst s4;
	s19 =	sshrl.u32 s22, $0x3  }
0x7: {  	_ =	strace $0x80000047;
	s6 =	simm.s32 $0x7;
	s5 =	sadd.s32 s11, s19  }
0x8: {  	[tilespmem:s4], [sflag:$0x7] =	stream.linear.gather [hbm4b:s5+s4], $0x80, $0x38;
	[tilespmem:$0x10600] =	vst v63  }
0x9: {  	s23 =	sor.u32 $0x80, s22;
	_ =	swait.ge [sflag:s6], $0x80  }
0xa: {  	s7 =	sshrl.u32 s23, $0x3;
	[sflag:s6] =	ssyncset.done $0x0  }
0xb: {  	s8 =	simm.s32 $0x80;
	s7 =	sadd.s32 s11, s7;
	[sflag:s6] =	ssyncadd.s32 $0xFFFFFF80  }
0xc: {  	[tilespmem:s8], [sflag:$0x7] =	stream.linear.gather [hbm4b:s7+s4], $0x80, $0x38;
	[tilespmem:$0x10600] =	vst v63  }
0xd: {  	s25 =	sor.u32 $0x100, s22;
	_ =	swait.ge [sflag:s6], $0x80  }
0xe: {  	s9 =	sshrl.u32 s25, $0x3;
	[sflag:s6] =	ssyncset.done $0x0  }
0xf: {  	s10 =	simm.s32 $0x100;
	s9 =	sadd.s32 s11, s9;
	[sflag:s6] =	ssyncadd.s32 $0xFFFFFF80  }
0x10: {  	[tilespmem:s10], [sflag:$0x7] =	stream.linear.gather [hbm4b:s9+s4], $0x80, $0x38;
	[tilespmem:$0x10600] =	vst v63  }
0x11: {  	s28 =	sor.u32 $0x180, s22;
	_ =	swait.ge [sflag:s6], $0x80  }
0x12: {  	s12 =	sshrl.u32 s28, $0x3;
	[sflag:s6] =	ssyncset.done $0x0  }
0x13: {  	s11 =	sadd.s32 s11, s12;
	s12 =	simm.s32 $0x180;
	[sflag:s6] =	ssyncadd.s32 $0xFFFFFF80  }
0x14: {  	[tilespmem:s12], [sflag:$0x7] =	stream.linear.gather [hbm4b:s11+s4], $0x80, $0x38;
	[tilespmem:$0x10600] =	vst v63  }
0x15: {  	_ =	swait.ge [sflag:s6], $0x80  }
0x16: {  	[sflag:s6] =	ssyncset.done $0x0  }
0x17: {  	s13 =	simm.s32 $0x200;
	[sflag:s6] =	ssyncadd.s32 $0xFFFFFF80  }
0x18: {  	[tilespmem:s13], [sflag:$0x1] =	stream.indirect.gather [hbm4b:s1+s8], $0x80, s4, s8, $0xb8;
	[tilespmem:$0x10600] =	vst v63  }
0x19: {  	s14 =	simm.s32 $0x4200  }
0x1a: {  	[tilespmem:s14], [sflag:$0x2] =	stream.indirect.gather [hbm4b:s1+s8], $0x80, s8, s8, $0xb8;
	[tilespmem:$0x10600] =	vst v63  }
0x1b: {  	s15 =	simm.s32 $0x8200  }
0x1c: {  	[tilespmem:s15], [sflag:$0x3] =	stream.indirect.gather [hbm4b:s1+s8], $0x80, s10, s8, $0xb8;
	[tilespmem:$0x10600] =	vst v63  }
0x1d: {  	s16 =	simm.s32 $0xC200  }
0x1e: {  	[tilespmem:s16], [sflag:$0x4] =	stream.indirect.gather [hbm4b:s1+s8], $0x80, s12, s8, $0xb8;
	[tilespmem:$0x10600] =	vst v63  }
0x1f: {  	s17 =	simm.s32 $0x10200  }
0x20: {  	[tilespmem:s17], [sflag:$0x7] =	stream.linear.gather [hbm4b:s5+s4], $0x200, $0x38;
	[tilespmem:$0x10600] =	vst v63  }
0x21: {  	_ =	swait.ge [sflag:s6], $0x200  }
0x22: {  	[sflag:s6] =	ssyncset.done $0x0  }
0x23: {  	s18 =	sadd.s32 s18, s19;
	s19 =	simm.s32 $0x10400;
	[sflag:s6] =	ssyncadd.s32 $0xFFFFFE00  }
0x24: {  	[tilespmem:s19], [sflag:$0x7] =	stream.linear.gather [hbm4b:s18+s4], $0x200, $0x38;
	[tilespmem:$0x10600] =	vst v63  }
0x25: {  	_ =	swait.ge [sflag:s6], $0x200  }
0x26: {  	[sflag:s6] =	ssyncset.done $0x0  }
0x27: {  	s20 =	simm.s32 $0x1;
	[sflag:s6] =	ssyncadd.s32 $0xFFFFFE00  }
0x28: {  	[hbm4b:s3+s13] =	stream.indirect.scatter [tilespmem:s19], [sflag:$0x5], $0x1, s17, s13, $0xb8;
	[tilespmem:$0x10600] =	vst v63  }
0x29: {  	_ =	swait.ge [sflag:s20], $0x4000  }
0x2a: {  	s29 =	sadd.s32 $0x1600, s21;
	s26 =	sshll.u32 s22, $0x4;
	[sflag:s20] =	ssyncset.done $0x0  }
0x2b: {  	s22 =	simm.s32 $0x2;
	s21 =	sadd.s32 s29, s26;
	[sflag:s20] =	ssyncadd.s32 $0xFFFFC000  }
0x2c: {  	[hbm4b:s21+s4] =	stream.linear.scatter [tilespmem:s13], [sflag:$0x6], $0x4000, $0x38;
	[tilespmem:$0x10600] =	vst v63  }
0x2d: {  	_ =	swait.ge [sflag:s22], $0x4000  }
0x2e: {  	s23 =	sshll.u32 s23, $0x4;
	[sflag:s22] =	ssyncset.done $0x0  }
0x2f: {  	s24 =	simm.s32 $0x3;
	s23 =	sadd.s32 s29, s23;
	[sflag:s22] =	ssyncadd.s32 $0xFFFFC000  }
0x30: {  	[hbm4b:s23+s4] =	stream.linear.scatter [tilespmem:s14], [sflag:$0x6], $0x4000, $0x38;
	[tilespmem:$0x10600] =	vst v63  }
0x31: {  	_ =	swait.ge [sflag:s24], $0x4000  }
0x32: {  	s25 =	sshll.u32 s25, $0x4;
	[sflag:s24] =	ssyncset.done $0x0  }
0x33: {  	s26 =	simm.s32 $0x4;
	s25 =	sadd.s32 s29, s25;
	[sflag:s24] =	ssyncadd.s32 $0xFFFFC000  }
0x34: {  	[hbm4b:s25+s4] =	stream.linear.scatter [tilespmem:s15], [sflag:$0x6], $0x4000, $0x38;
	[tilespmem:$0x10600] =	vst v63  }
0x35: {  	_ =	swait.ge [sflag:s26], $0x4000  }
0x36: {  	s28 =	sshll.u32 s28, $0x4;
	[sflag:s26] =	ssyncset.done $0x0  }
0x37: {  	s28 =	sadd.s32 s29, s28;
	s29 =	simm.s32 $0x5;
	[sflag:s26] =	ssyncadd.s32 $0xFFFFC000  }
0x38: {  	[hbm4b:s28+s4] =	stream.linear.scatter [tilespmem:s16], [sflag:$0x6], $0x4000, $0x38;
	[tilespmem:$0x10600] =	vst v63  }
0x39: {  	_ =	swait.ge [sflag:s29], $0x200  }
0x3a: {  	[sflag:s29] =	ssyncset.done $0x0  }
0x3b: {  	s30 =	simm.s32 $0x6;
	[sflag:s29] =	ssyncadd.s32 $0xFFFFFE00  }
0x3c: {  	_ =	swait.ge [sflag:s30], $0x4000  }
0x3d: {  	s31 =	ssub.s32 $0x2, s31;
	[sflag:s30] =	ssyncset.done $0x0  }
0x3e: {  	s2 =	sshrl.u32 s31, $0x1;
	[sflag:s30] =	ssyncadd.s32 $0xFFFFC000  }
0x3f: {  	s2 =	ssub.s32 s31, s2;
	_ =	swait.ge [sflag:s30], $0x4000  }
0x40: {  	s2 =	smax.u32 s2, $0x1;
	[sflag:s30] =	ssyncset.done $0x0  }
0x41: {  	p0 =	sne.s32 s2, $0x1;
	[sflag:s30] =	ssyncadd.s32 $0xFFFFC000  }
.Ltmp0:
0x42: {  	_ =	swait.ge [sflag:s30], $0x4000;
	(pc) =	sbr.rel @!p0 .LBB2_2-.Ltmp0, $4  }
0x43: {  	[sflag:s30] =	ssyncset.done $0x0  }
0x44: {  	[sflag:s30] =	ssyncadd.s32 $0xFFFFC000  }
0x45: {  	_ =	swait.ge [sflag:s30], $0x4000  }
0x46: {  	s31 =	sadd.s32 $0xFFFFFFFF, s2;
	[sflag:s30] =	ssyncset.done $0x0  }
.LBB2_1:
0x47: {  	p0 =	sne.s32 s31, $0x1;
	s31 =	sadd.s32 $0xFFFFFFFF, s31;
	[sflag:s30] =	ssyncadd.s32 $0xFFFFC000  }
0x48: {  	[tilespmem:s4], [sflag:$0x7] =	stream.linear.gather [hbm4b:s5+s4], $0x80, $0x38;
	[tilespmem:$0x10600] =	vst v63  }
0x49: {  	_ =	swait.ge [sflag:s6], $0x80  }
0x4a: {  	[sflag:s6] =	ssyncset.done $0x0  }
0x4b: {  	[sflag:s6] =	ssyncadd.s32 $0xFFFFFF80  }
0x4c: {  	[tilespmem:s8], [sflag:$0x7] =	stream.linear.gather [hbm4b:s7+s4], $0x80, $0x38;
	[tilespmem:$0x10600] =	vst v63  }
0x4d: {  	_ =	swait.ge [sflag:s6], $0x80  }
0x4e: {  	[sflag:s6] =	ssyncset.done $0x0  }
0x4f: {  	[sflag:s6] =	ssyncadd.s32 $0xFFFFFF80  }
0x50: {  	[tilespmem:s10], [sflag:$0x7] =	stream.linear.gather [hbm4b:s9+s4], $0x80, $0x38;
	[tilespmem:$0x10600] =	vst v63  }
0x51: {  	_ =	swait.ge [sflag:s6], $0x80  }
0x52: {  	[sflag:s6] =	ssyncset.done $0x0  }
0x53: {  	[sflag:s6] =	ssyncadd.s32 $0xFFFFFF80  }
0x54: {  	[tilespmem:s12], [sflag:$0x7] =	stream.linear.gather [hbm4b:s11+s4], $0x80, $0x38;
	[tilespmem:$0x10600] =	vst v63  }
0x55: {  	_ =	swait.ge [sflag:s6], $0x80  }
0x56: {  	[sflag:s6] =	ssyncset.done $0x0  }
0x57: {  	[sflag:s6] =	ssyncadd.s32 $0xFFFFFF80  }
0x58: {  	[tilespmem:s13], [sflag:$0x1] =	stream.indirect.gather [hbm4b:s1+s8], $0x80, s4, s8, $0xb8;
	[tilespmem:$0x10600] =	vst v63  }
0x59: {  	_ = 	snop  }
0x5a: {  	[tilespmem:s14], [sflag:$0x2] =	stream.indirect.gather [hbm4b:s1+s8], $0x80, s8, s8, $0xb8;
	[tilespmem:$0x10600] =	vst v63  }
0x5b: {  	_ = 	snop  }
0x5c: {  	[tilespmem:s15], [sflag:$0x3] =	stream.indirect.gather [hbm4b:s1+s8], $0x80, s10, s8, $0xb8;
	[tilespmem:$0x10600] =	vst v63  }
0x5d: {  	_ = 	snop  }
0x5e: {  	[tilespmem:s16], [sflag:$0x4] =	stream.indirect.gather [hbm4b:s1+s8], $0x80, s12, s8, $0xb8;
	[tilespmem:$0x10600] =	vst v63  }
0x5f: {  	_ = 	snop  }
0x60: {  	[tilespmem:s17], [sflag:$0x7] =	stream.linear.gather [hbm4b:s5+s4], $0x200, $0x38;
	[tilespmem:$0x10600] =	vst v63  }
0x61: {  	_ =	swait.ge [sflag:s6], $0x200  }
0x62: {  	[sflag:s6] =	ssyncset.done $0x0  }
0x63: {  	[sflag:s6] =	ssyncadd.s32 $0xFFFFFE00  }
0x64: {  	[tilespmem:s19], [sflag:$0x7] =	stream.linear.gather [hbm4b:s18+s4], $0x200, $0x38;
	[tilespmem:$0x10600] =	vst v63  }
0x65: {  	_ =	swait.ge [sflag:s6], $0x200  }
0x66: {  	[sflag:s6] =	ssyncset.done $0x0  }
0x67: {  	[sflag:s6] =	ssyncadd.s32 $0xFFFFFE00  }
0x68: {  	[hbm4b:s3+s13] =	stream.indirect.scatter [tilespmem:s19], [sflag:$0x5], $0x1, s17, s13, $0xb8;
	[tilespmem:$0x10600] =	vst v63  }
0x69: {  	_ =	swait.ge [sflag:s20], $0x4000  }
0x6a: {  	[sflag:s20] =	ssyncset.done $0x0  }
0x6b: {  	[sflag:s20] =	ssyncadd.s32 $0xFFFFC000  }
0x6c: {  	[hbm4b:s21+s4] =	stream.linear.scatter [tilespmem:s13], [sflag:$0x6], $0x4000, $0x38;
	[tilespmem:$0x10600] =	vst v63  }
0x6d: {  	_ =	swait.ge [sflag:s22], $0x4000  }
0x6e: {  	[sflag:s22] =	ssyncset.done $0x0  }
0x6f: {  	[sflag:s22] =	ssyncadd.s32 $0xFFFFC000  }
0x70: {  	[hbm4b:s23+s4] =	stream.linear.scatter [tilespmem:s14], [sflag:$0x6], $0x4000, $0x38;
	[tilespmem:$0x10600] =	vst v63  }
0x71: {  	_ =	swait.ge [sflag:s24], $0x4000  }
0x72: {  	[sflag:s24] =	ssyncset.done $0x0  }
0x73: {  	[sflag:s24] =	ssyncadd.s32 $0xFFFFC000  }
0x74: {  	[hbm4b:s25+s4] =	stream.linear.scatter [tilespmem:s15], [sflag:$0x6], $0x4000, $0x38;
	[tilespmem:$0x10600] =	vst v63  }
0x75: {  	_ =	swait.ge [sflag:s26], $0x4000  }
0x76: {  	[sflag:s26] =	ssyncset.done $0x0  }
0x77: {  	[sflag:s26] =	ssyncadd.s32 $0xFFFFC000  }
0x78: {  	[hbm4b:s28+s4] =	stream.linear.scatter [tilespmem:s16], [sflag:$0x6], $0x4000, $0x38;
	[tilespmem:$0x10600] =	vst v63  }
0x79: {  	_ =	swait.ge [sflag:s29], $0x200  }
0x7a: {  	[sflag:s29] =	ssyncset.done $0x0  }
0x7b: {  	[sflag:s29] =	ssyncadd.s32 $0xFFFFFE00  }
0x7c: {  	_ =	swait.ge [sflag:s30], $0x4000  }
0x7d: {  	[sflag:s30] =	ssyncset.done $0x0  }
0x7e: {  	[sflag:s30] =	ssyncadd.s32 $0xFFFFC000  }
0x7f: {  	_ =	swait.ge [sflag:s30], $0x4000  }
0x80: {  	[sflag:s30] =	ssyncset.done $0x0  }
0x81: {  	[sflag:s30] =	ssyncadd.s32 $0xFFFFC000  }
.Ltmp1:
0x82: {  	_ =	swait.ge [sflag:s30], $0x4000;
	(pc) =	sbr.rel @p0 .LBB2_1-.Ltmp1, $4  }
0x83: {  	[sflag:s30] =	ssyncset.done $0x0  }
0x84: {  	[sflag:s30] =	ssyncadd.s32 $0xFFFFC000  }
0x85: {  	_ =	swait.ge [sflag:s30], $0x4000  }
0x86: {  	[sflag:s30] =	ssyncset.done $0x0  }
.LBB2_2:
0x87: {  	[sflag:s30] =	ssyncadd.s32 $0xFFFFC000  }
0x88: {  	_ =	sfence.sel $0x180000  }
0x89: {  	[bflag:$0x0] =	sbarrier.arrive $0xFFFF  }
0x8a: {  	_ =	strace $0x90000047  }
0x8b: {  	[bflag:$0x2] =	sbarrier.arrive $0xFFFF  }
0x8c: {  	p0 =	sne.s32 s0, $0x0;
	s0 =	rddreg [dreg:$0x5]  }
0x8d: {  	s0 =	sadd.s32 @!p0 $0x100000, s0  }
0x8e: {  	[sflag:s0] =	ssyncadd.tile.s32 @!p0 $0x1;
	_ =	shalt  }
.Lfunc_end2:
_tile_overlayer_lowered:
.L_overlay_start_2:
0x8f: {  	(tag) =	ssettag $0x2  }
0x90: {  	s0 =	rddreg [dreg:$0x0];
	s2 =	stileid.u32  }
0x91: {  	s1 =	rddreg [dreg:$0x1];
	p0 =	sne.s32 s2, $0x0  }
0x92: {  	s3 =	rddreg [dreg:$0x2];
	[bflag:$0x3] =	sbarrier.arrive $0xFFFF;
	s2 =	simm.s32 @!p0 $0x1C07  }
0x93: {  	[timem:s3], [sflag:s2] =	dma.local @!p0 [hbm:s0], s1  }
0x94: {  	s0 =	simm.s32 @!p0 $0x7  }
0x95: {  	_ =	swait.ge @!p0 [sflag:s0], s1  }
0x96: {  	s1 =	ssub.s32 @!p0 $0x0, s1;
	[sflag:s0] =	ssyncset.done @!p0 $0x0  }
0x97: {  	[sflag:s0] =	ssyncadd.s32 @!p0 s1  }
0x98: {  	[bflag:$0x3] =	sbarrier.arrive $0xFFFF  }
0x99: {  	_ =	shalt  }

// kernel: kernel.9.cloned.1.call-start
scs
__scs_entry_jumppad:
0x0: {  	(pc) =	sbr.rel $0x88, $3  }
0x1: {  	(tag) =	ssettag $0x0;
	lr =	simm.s32 $0x1  }
0x2: {  	[smem:$0x3F9A] =	sst lr;
	_ =	strace $0xD0000000  }
0x3: {  	_ = 	snop  }
0x4: {  	_ = 	snop  }
0x5: {  	_ = 	snop  }
0x6: {  	_ = 	snop  }
0x7: {  	_ = 	snop  }
__scs_overlays_trampoline_lowered:
0x8: {  	[smem:$0x3FA9] =	sst s0  }
0x9: {  	[smem:$0x3FAA] =	sst s1  }
0xa: {  	[smem:$0x3FAB] =	sst s2  }
0xb: {  	[smem:$0x3FAC] =	sst s3  }
0xc: {  	[smem:$0x3FAD] =	sst s4  }
0xd: {  	[smem:$0x3FAE] =	sst s5  }
0xe: {  	[smem:$0x3FAF] =	sst s6  }
0xf: {  	[smem:$0x3FB0] =	sst s7  }
0x10: {  	[smem:$0x3FB1] =	sst s8  }
0x11: {  	[smem:$0x3FB2] =	sst s9;
	s0 =	simm.s32 @!p0 $0x0  }
0x12: {  	s1 =	sld [smem:$0x3F98];
	s0 =	simm.s32 @p0 $0x1  }
0x13: {  	[smem:$0x3FB3] =	sst s0;
	s0 =	simm.s32 @!p1 $0x0  }
0x14: {  	s2 =	sld [smem:$0x3F97];
	s0 =	simm.s32 @p1 $0x1  }
0x15: {  	[smem:$0x3FB4] =	sst s0;
	s0 =	simm.s32 @!p2 $0x0  }
0x16: {  	s3 =	sld [smem:$0x3FDB];
	s0 =	simm.s32 @p2 $0x1  }
0x17: {  	s4 =	simm.s32 $0x1BF5;
	[smem:$0x3FB6] =	sst s0  }
0x18: {  	s0 =	sld [smem:$0x3F99];
	_ =	swait.ge [sflag:s4], $0x0  }
0x19: {  	s7 =	sld [smem:$0x3F9A]  }
0x1a: {  	s8 =	sadd.s32 $0xFFFFE003, lr  }
0x1b: {  	s9 =	sadd.s32 $0xFFFFFEF7, lr;
	s5 =	simm.s32 $0xFFFFFFFF;
	p2 =	slt.u32 s8, $0xFFFFF086  }
0x1c: {  	p1 =	slt.u32 s9, $0xF7A;
	s5 =	simm.s32 @!p2 $0x0  }
0x1d: {  	s5 =	simm.s32 @p1 $0x1;
	p0 =	seq.s32 s7, s2  }
0x1e: {  	s7 =	smul.u32 @!p0 $0xF7A, s2;
	p2 =	seq.s32 @!p0 s5, $0x0  }
0x1f: {  	s9 =	smul.u32 $0xF7A, s1;
	s8 =	simm.s32 @!p0 $0x1BF5;
	p2 =	por !p2, p0  }
0x20: {  	[sflag:s8] =	ssyncset.s32 @!p0 $0xFFFFF086;
	s6 =	sadd.s32 @!p0 s3, s7;
	s7 =	simm.s32 @!p0 $0x108  }
0x21: {  	s3 =	sadd.s32 s3, s9;
	s6 =	sadd.s32 @!p0 $0x88, s6;
	s7 =	simm.s32 @p2 $0x1082  }
0x22: {  	[simem:s7], [sflag:s8] =	dma.local @!p0 [hbm:s6], $0xF7A  }
0x23: {  	s9 =	sor.u32 $0xD0000000, s2;
	s6 =	simm.s32 $0x108;
	_ =	swait.ge @!p0 [sflag:s8], $0x0  }
0x24: {  	s3 =	sadd.s32 $0x88, s3;
	s6 =	simm.s32 @!p1 $0x1082;
	[sflag:s4] =	ssyncset.s32 $0xFFFFF086  }
0x25: {  	[simem:s6], [sflag:s4] =	dma.local [hbm:s3], $0xF7A  }
0x26: {  	[smem:$0x3F9A] =	sst s1;
	(tag) =	ssettag s2;
	_ =	strace s9  }
0x27: {  	s1 =	sld [smem:$0x3FAA]  }
0x28: {  	s2 =	sld [smem:$0x3FAB]  }
0x29: {  	s4 =	sld [smem:$0x3FAD]  }
0x2a: {  	p0 =	seq.s32 s5, $0x0;
	s5 =	sld [smem:$0x3FAE]  }
0x2b: {  	s6 =	sld [smem:$0x3FAF]  }
0x2c: {  	s7 =	sld [smem:$0x3FB0]  }
0x2d: {  	s3 =	simm.s32 $0x108;
	s8 =	sld [smem:$0x3FB1]  }
0x2e: {  	s3 =	simm.s32 @!p0 $0x1082;
	s9 =	sld [smem:$0x3FB2]  }
0x2f: {  	lr =	sadd.s32 s0, s3;
	s0 =	sld [smem:$0x3FA9]  }
0x30: {  	s3 =	sld [smem:$0x3FAC]  }
0x31: {  	[smem:$0x3FB5] =	sst s10  }
0x32: {  	s10 =	sld [smem:$0x3FB3];
	_ =	sdelay $0x3  }
0x33: {  	p0 =	seq.s32 s10, $0x1;
	s10 =	sld [smem:$0x3FB5];
	_ =	sdelay $0x3  }
0x34: {  	[smem:$0x3FB5] =	sst s10  }
0x35: {  	s10 =	sld [smem:$0x3FB4];
	_ =	sdelay $0x3  }
0x36: {  	p1 =	seq.s32 s10, $0x1;
	s10 =	sld [smem:$0x3FB5];
	_ =	sdelay $0x3  }
0x37: {  	[smem:$0x3FB5] =	sst s10  }
0x38: {  	s10 =	sld [smem:$0x3FB6]  }
0x39: {  	_ = 	snop;
	(pc) =	sbr.ind lr, $3  }
0x3a: {  	_ = 	snop  }
0x3b: {  	_ = 	snop  }
0x3c: {  	p2 =	seq.s32 s10, $0x1;
	s10 =	sld [smem:$0x3FB5]  }
0x3d: {  	_ =	shalt  }
0x3e: {  	_ =	shalt  }
0x3f: {  	_ =	shalt  }
0x40: {  	_ =	shalt  }
0x41: {  	_ =	shalt  }
0x42: {  	_ =	shalt  }
0x43: {  	_ =	shalt  }
0x44: {  	_ =	shalt  }
0x45: {  	_ =	shalt  }
0x46: {  	_ =	shalt  }
0x47: {  	_ =	shalt  }
0x48: {  	_ =	shalt  }
0x49: {  	_ =	shalt  }
0x4a: {  	_ =	shalt  }
0x4b: {  	_ =	shalt  }
0x4c: {  	_ =	shalt  }
0x4d: {  	_ =	shalt  }
0x4e: {  	_ =	shalt  }
0x4f: {  	_ =	shalt  }
0x50: {  	_ =	shalt  }
0x51: {  	_ =	shalt  }
0x52: {  	_ =	shalt  }
0x53: {  	_ =	shalt  }
0x54: {  	_ =	shalt  }
0x55: {  	_ =	shalt  }
0x56: {  	_ =	shalt  }
0x57: {  	_ =	shalt  }
0x58: {  	_ =	shalt  }
0x59: {  	_ =	shalt  }
0x5a: {  	_ =	shalt  }
0x5b: {  	_ =	shalt  }
0x5c: {  	_ =	shalt  }
0x5d: {  	_ =	shalt  }
0x5e: {  	_ =	shalt  }
0x5f: {  	_ =	shalt  }
0x60: {  	_ =	shalt  }
0x61: {  	_ =	shalt  }
0x62: {  	_ =	shalt  }
0x63: {  	_ =	shalt  }
0x64: {  	_ =	shalt  }
0x65: {  	_ =	shalt  }
0x66: {  	_ =	shalt  }
0x67: {  	_ =	shalt  }
0x68: {  	_ =	shalt  }
0x69: {  	_ =	shalt  }
0x6a: {  	_ =	shalt  }
0x6b: {  	_ =	shalt  }
0x6c: {  	_ =	shalt  }
0x6d: {  	_ =	shalt  }
0x6e: {  	_ =	shalt  }
0x6f: {  	_ =	shalt  }
0x70: {  	_ =	shalt  }
0x71: {  	_ =	shalt  }
0x72: {  	_ =	shalt  }
0x73: {  	_ =	shalt  }
0x74: {  	_ =	shalt  }
0x75: {  	_ =	shalt  }
0x76: {  	_ =	shalt  }
0x77: {  	_ =	shalt  }
0x78: {  	_ =	shalt  }
0x79: {  	_ =	shalt  }
0x7a: {  	_ =	shalt  }
0x7b: {  	_ =	shalt  }
0x7c: {  	_ =	shalt  }
0x7d: {  	_ =	shalt  }
0x7e: {  	_ =	shalt  }
0x7f: {  	_ =	shalt  }
0x80: {  	_ =	shalt  }
0x81: {  	_ =	shalt  }
0x82: {  	_ =	shalt  }
0x83: {  	_ =	shalt  }
0x84: {  	_ =	shalt  }
0x85: {  	_ =	shalt  }
0x86: {  	_ =	shalt  }
0x87: {  	_ =	shalt  }
.Lfunc_end0:
.L_simem_size_0:
called_computation.1_lowered:
.L_overlay_start_0:
0x88: {  	s2 =	sld [smem:$0x3FD9]  }
0x89: {  	s3 =	sld [smem:$0x3FFE];
	_ =	sdelay $0x1  }
0x8a: {  	s1 =	srdreg.scid  }
0x8b: {  	s0 =	sand.u32 $0x1, s1  }
0x8c: {  	s14 =	sshll.u32 s0, $0xA;
	s2 =	sadd.s32 s3, s2  }
0x8d: {  	s2 =	sadd.s32 s2, s14  }
0x8e: {  	[smem:$0x3FC1] =	sst s2  }
0x8f: {  	_ = 	snop  }
0x90: {  	s2 =	sld [smem:$0x3FD0];
	_ =	sdelay $0x2  }
0x91: {  	s4 =	simm.s32 $0xA;
	s5 =	simm.s32 $0x10;
	s15 =	sld [smem:$0x3FC5]  }
0x92: {  	[smem:s5], [sflag:s4] =	dma.local [hbm:s2], $0x1  }
0x93: {  	_ =	swait.eq [sflag:s4], $0x1  }
0x94: {  	[sflag:s4] =	ssyncset.done $0x0  }
0x95: {  	[sflag:s4] =	ssyncadd.s32 $0xFFFFFFFF  }
0x96: {  	s16 =	sld [smem:$0x10];
	(tm) =	ssettm $0x1  }
0x97: {  	s17 =	sld [smem:$0x3FFB];
	_ =	sdelay $0x3  }
0x98: {  	_ =	strace s17  }
0x99: {  	s4 =	sld [smem:$0x3FFC];
	_ =	sdelay $0x3  }
0x9a: {  	_ =	strace s4  }
0x9b: {  	s4 =	sld [smem:$0x3FFD];
	_ =	sdelay $0x3  }
0x9c: {  	_ =	strace s4  }
0x9d: {  	_ =	strace $0x8FFFFFFF  }
0x9e: {  	s18 =	sld [smem:$0x3FDB];
	_ =	sdelay $0x1  }
0x9f: {  	s19 =	simm.s32 $_scs_section_size  }
0xa0: {  	s6 =	simm.s32 $_size__tile_overlayer_lowered;
	s7 =	simm.s32 $_tile_overlayer_lowered  }
0xa1: {  	s22 =	simm.s32 $0x1BFF;
	s21 =	sshll.u32 s7, $0x1;
	s4 =	sadd.s32 s19, s18  }
0xa2: {  	s8 =	simm.s32 $0x0;
	s20 =	sshll.u32 s6, $0x1;
	s6 =	sadd.s32 s21, s4  }
0xa3: {  	[timem:s8], [sflag:s22] =	dma.local [hbm:s6], s20  }
0xa4: {  	_ =	swait.ge [sflag:s22], s20  }
0xa5: {  	s5 =	ssub.s32 $0x0, s20;
	[sflag:s22] =	ssyncset.done $0x0  }
0xa6: {  	[sflag:s22] =	ssyncadd.s32 s5;
	_ =	sdelay $0x1  }
0xa7: {  	s23 =	simm.s32 $0x1B8B  }
0xa8: {  	_ =	swait.ge [sflag:s23], $0x1  }
0xa9: {  	[sflag:s23] =	ssyncset.done $0x0  }
0xaa: {  	s25 =	simm.s32 $0x1B8E;
	s24 =	sld [smem:$0x3FFE];
	[sflag:s23] =	ssyncadd.s32 $0xFFFFFFFF  }
0xab: {  	s26 =	simm.s32 $execute0_lowered;
	[smem:$0x3FD2] =	sst s25  }
0xac: {  	s6 =	sshll.u32 s26, $0x1;
	_ =	strace $0x80000049;
	[dreg:$0x1] =	wrdreg $0xFFFFFFFF  }
0xad: {  	s28 =	simm.s32 $_size_execute0_lowered;
	s4 =	sadd.s32 s4, s6;
	[dreg:$0x0] =	wrdreg $0x0  }
0xae: {  	s6 =	sshll.u32 s28, $0x1;
	[dreg:$0x2] =	wrdreg s4  }
0xaf: {  	[dreg:$0x3] =	wrdreg s6  }
0xb0: {  	[dreg:$0x4] =	wrdreg $0xC0  }
0xb1: {  	_ =	task [dreg:s8], $0x5FFFF  }
0xb2: {  	[dreg:$0x1] =	wrdreg $0xFFFFFFFF  }
0xb3: {  	[dreg:$0x0] =	wrdreg $0x60  }
0xb4: {  	[dreg:$0x2] =	wrdreg s24  }
0xb5: {  	[dreg:$0x3] =	wrdreg s15  }
0xb6: {  	[dreg:$0x4] =	wrdreg s16  }
0xb7: {  	[dreg:$0x5] =	wrdreg $0x9  }
0xb8: {  	_ =	task.clear_ibuf [dreg:s8], $0x6FFFF;
	_ =	strace $0x90000049  }
0xb9: {  	s29 =	simm.s32 $0x9;
	_ =	strace $0x8000004B  }
0xba: {  	_ =	swait.ge [sflag:s29], $0x1  }
0xbb: {  	[sflag:s29] =	ssyncadd.s32 $0xFFFFFFFF  }
0xbc: {  	_ =	strace $0x9000004B  }
0xbd: {  	_ =	sfence  }
0xbe: {  	s30 =	sld [smem:$0x0];
	_ =	sdelay $0x2  }
0xbf: {  	s31 =	sshll.u32 s1, $0xD;
	s1 =	sshrl.u32 s1, $0x2  }
0xc0: {  	s3 =	sand.u32 $0x4000, s31;
	s1 =	sadd.s32 s1, s30  }
0xc1: {  	s0 =	sor.u32 s3, s0;
	s1 =	sshll.u32 s1, $0x11  }
0xc2: {  	s0 =	sor.u32 s1, s0  }
0xc3: {  	s0 =	sadd.s32 $0x8F2B, s0  }
0xc4: {  	[sflag:s0] =	ssyncadd.remote.s32 $0x1  }
0xc5: {  	_ =	sfence.sel $0xFFFF  }
0xc6: {  	[dreg:$0x0] =	wrdreg $0xFFFFFFFF;
	(pc) =	sbr.abs _section_cstart, $3  }
0xc7: {  	[dreg:$0x1] =	wrdreg $0xFFFFFFFF  }
0xc8: {  	_ =	task.clear_ibuf [dreg:s8], $0x2FFFF;
	_ =	strace $0x9FFFFFFF  }
0xc9: {  	(tm) =	ssettm $0x7FFFFFFF  }
tec
execute0_lowered:
.L_overlay_start_1:
0x0: {  	(tag) =	ssettag $0x1  }
0x1: {  	s6 =	rddreg [dreg:$0x0];
	s1 =	srdreg.scid  }
0x2: {  	s4 =	rddreg [dreg:$0x1];
	s0 =	stileid.u32  }
0x3: {  	s2 =	rddreg [dreg:$0x2];
	s3 =	simm.s32 $0x0;
	s7 =	sand.u32 $0x1, s1  }
0x4: {  	s5 =	sshll.u32 s0, $0xA;
	s1 =	rddreg [dreg:$0x3];
	s8 =	sshll.u32 s7, $0x9  }
0x5: {  	[smem:$0x7FF] =	sst s3;
	s8 =	sor.u32 s8, s5  }
0x6: {  	_ =	strace $0x8000004A;
	s31 =	ssub.s32 $0x2, s7;
	s5 =	sshrl.u32 s8, $0x3  }
0x7: {  	s7 =	simm.s32 $0x200;
	s4 =	sadd.s32 s4, s5;
	s5 =	simm.s32 $0x2  }
0x8: {  	[tilespmem:s3], [sflag:$0x2] =	stream.linear.gather [hbm4b:s4+s3], $0x200, $0x38;
	[tilespmem:$0x10200] =	vst v63  }
0x9: {  	s9 =	sshrl.u32 s31, $0x1;
	s8 =	sshll.u32 s8, $0x4;
	_ =	swait.ge [sflag:s5], $0x200  }
0xa: {  	s6 =	sadd.s32 s8, s6;
	s8 =	ssub.s32 s31, s9;
	[sflag:s5] =	ssyncset.done $0x0  }
0xb: {  	s6 =	sadd.s32 $0x1600, s6;
	s9 =	smax.u32 s8, $0x1;
	[sflag:s5] =	ssyncadd.s32 $0xFFFFFE00  }
0xc: {  	[tilespmem:s7], [sflag:$0x2] =	stream.linear.gather [hbm4b:s6+s3], $0x10000, $0x38;
	[tilespmem:$0x10200] =	vst v63  }
0xd: {  	p0 =	sne.s32 s9, $0x1;
	_ =	swait.ge [sflag:s5], $0x10000  }
.Ltmp0:
0xe: {  	[sflag:s5] =	ssyncset.done $0x0;
	(pc) =	sbr.rel @!p0 .LBB2_2-.Ltmp0, $4  }
0xf: {  	s8 =	simm.s32 $0x1;
	[sflag:s5] =	ssyncadd.s32 $0xFFFF0000  }
0x10: {  	[hbm4b:s2+s7] =	stream.indirect.scatter [tilespmem:s7], [sflag:$0x1], $0x80, s3, s7, $0xb8;
	[tilespmem:$0x10200] =	vst v63  }
0x11: {  	_ =	swait.ge [sflag:s8], $0x10000  }
0x12: {  	s9 =	sadd.s32 $0xFFFFFFFF, s9;
	[sflag:s8] =	ssyncset.done $0x0  }
.LBB2_1:
0x13: {  	p0 =	sne.s32 s9, $0x1;
	s9 =	sadd.s32 $0xFFFFFFFF, s9;
	[sflag:s8] =	ssyncadd.s32 $0xFFFF0000  }
0x14: {  	[tilespmem:s3], [sflag:$0x2] =	stream.linear.gather [hbm4b:s4+s3], $0x200, $0x38;
	[tilespmem:$0x10200] =	vst v63  }
0x15: {  	_ =	swait.ge [sflag:s5], $0x200  }
0x16: {  	[sflag:s5] =	ssyncset.done $0x0  }
0x17: {  	[sflag:s5] =	ssyncadd.s32 $0xFFFFFE00  }
0x18: {  	[tilespmem:s7], [sflag:$0x2] =	stream.linear.gather [hbm4b:s6+s3], $0x10000, $0x38;
	[tilespmem:$0x10200] =	vst v63  }
0x19: {  	_ =	swait.ge [sflag:s5], $0x10000  }
.Ltmp1:
0x1a: {  	[sflag:s5] =	ssyncset.done $0x0;
	(pc) =	sbr.rel @p0 .LBB2_1-.Ltmp1, $4  }
0x1b: {  	[sflag:s5] =	ssyncadd.s32 $0xFFFF0000  }
0x1c: {  	[hbm4b:s2+s7] =	stream.indirect.scatter [tilespmem:s7], [sflag:$0x1], $0x80, s3, s7, $0xb8;
	[tilespmem:$0x10200] =	vst v63  }
0x1d: {  	_ =	swait.ge [sflag:s8], $0x10000  }
0x1e: {  	[sflag:s8] =	ssyncset.done $0x0  }
.LBB2_2:
0x1f: {  	[sflag:s8] =	ssyncadd.s32 $0xFFFF0000  }
0x20: {  	_ =	sfence.sel $0x180000  }
0x21: {  	[bflag:$0x0] =	sbarrier.arrive $0xFFFF  }
0x22: {  	p0 =	sne.s32 s0, $0x0;
	_ =	strace $0x9000004A  }
0x23: {  	s0 =	sadd.s32 @!p0 $0x100000, s1;
	[bflag:$0x2] =	sbarrier.arrive $0xFFFF  }
0x24: {  	[sflag:s0] =	ssyncadd.tile.s32 @!p0 $0x1;
	_ =	shalt  }
.Lfunc_end2:
_tile_overlayer_lowered:
.L_overlay_start_2:
0x25: {  	(tag) =	ssettag $0x2  }
0x26: {  	s0 =	rddreg [dreg:$0x0];
	s2 =	stileid.u32  }
0x27: {  	s1 =	rddreg [dreg:$0x1];
	p0 =	sne.s32 s2, $0x0  }
0x28: {  	s3 =	rddreg [dreg:$0x2];
	[bflag:$0x3] =	sbarrier.arrive $0xFFFF;
	s2 =	simm.s32 @!p0 $0x1C02  }
0x29: {  	[timem:s3], [sflag:s2] =	dma.local @!p0 [hbm:s0], s1  }
0x2a: {  	s0 =	simm.s32 @!p0 $0x2  }
0x2b: {  	_ =	swait.ge @!p0 [sflag:s0], s1  }
0x2c: {  	s1 =	ssub.s32 @!p0 $0x0, s1;
	[sflag:s0] =	ssyncset.done @!p0 $0x0  }
0x2d: {  	[sflag:s0] =	ssyncadd.s32 @!p0 s1  }
0x2e: {  	[bflag:$0x3] =	sbarrier.arrive $0xFFFF  }
0x2f: {  	_ =	shalt  }

</sc_bundles>
